<compile_context>
chip_gen: v7x
topology: tpu7x:2x2x1
jax: 0.10.2.dev20260603
libtpu: 0.0.44.dev20260713+nightly
codegen_flags: <defaults>
</compile_context>

<pallas_src>
import functools

import jax
import jax.numpy as jnp
from jax import lax
from jax.experimental import pallas as pl
from jax.experimental.pallas import tpu as pltpu
from jax.experimental.pallas import tpu_sc as plsc

N = 10000
S = 5
NT = N * S
D = 128
H = 64
HH = H // 2
E = 320000
E5 = S * E
K = 400
CHUNKS = 250
PAIRS = CHUNKS // 2
ACC_ROWS = NT
DEG_TRASH = N
DEG_ROWS = 10112
DEG_EPAD = 327680
_Q = 3128
_QLAST = NT - 15 * _Q

_sc_mesh = plsc.VectorSubcoreMesh(core_axis_name="c", subcore_axis_name="s")



@functools.partial(
    pl.kernel,
    out_type=jax.ShapeDtypeStruct((2, DEG_ROWS, 16), jnp.float32),
    mesh=_sc_mesh,
    compiler_params=pltpu.CompilerParams(use_tc_tiling_on_sc=False),
    scratch_types=[
        pltpu.VMEM((1000,), jnp.int32),
        pltpu.VMEM((1000, 16), jnp.float32),
        pltpu.VMEM_SHARED((DEG_ROWS, 16), jnp.float32),
    ],
)
def _sc_degree(dst1d, zeros_c, ones_c, deg_out, idx_v, ones_v, tbl):
    c = lax.axis_index("c")
    t = lax.axis_index("s")
    pltpu.sync_copy(zeros_c, tbl.at[pl.ds(t * 632, 632)])
    pltpu.sync_copy(ones_c, ones_v)
    plsc.subcore_barrier()

    def body(g, carry):
        base = (c * 16 + t) * 10000 + g * 1000
        pltpu.sync_copy(dst1d.at[pl.ds(base, 1000)], idx_v)
        pltpu.sync_copy(ones_v, tbl.at[idx_v], add=True)
        return carry

    lax.fori_loop(0, 10, body, 0)
    plsc.subcore_barrier()
    pltpu.sync_copy(tbl.at[pl.ds(t * 632, 632)],
                    deg_out.at[c, pl.ds(t * 632, 632)])



@functools.partial(
    pl.kernel,
    out_type=jax.ShapeDtypeStruct((NT, 128), jnp.float32),
    mesh=_sc_mesh,
    compiler_params=pltpu.CompilerParams(use_tc_tiling_on_sc=False),
    scratch_types=[
        pltpu.VMEM_SHARED((ACC_ROWS, HH), jnp.float32),
        pltpu.SemaphoreType.DMA,
        pltpu.SemaphoreType.DMA,
        pltpu.SemaphoreType.DMA,
        pltpu.SemaphoreType.DMA,
    ],
)
def _sc_scatter(hp0, hp1, comb, aggr, acc,
                g0, g1, c0, c1):
    c = lax.axis_index("c")
    t = lax.axis_index("s")

    def _init(hp):
        @pl.when(t < 15)
        def _():
            pltpu.sync_copy(hp.at[pl.ds(t * _Q, _Q)],
                            acc.at[pl.ds(t * _Q, _Q)])

        @pl.when(t == 15)
        def _():
            pltpu.sync_copy(hp.at[pl.ds(15 * _Q, _QLAST)],
                            acc.at[pl.ds(15 * _Q, _QLAST)])

    @pl.when(c == 0)
    def _():
        _init(hp0)

    @pl.when(c == 1)
    def _():
        _init(hp1)

    plsc.subcore_barrier()

    def _gather(s, r, sem):
        @pl.when(c == 0)
        def _():
            pltpu.async_copy(hp0.at[s], r, sem)

        @pl.when(c == 1)
        def _():
            pltpu.async_copy(hp1.at[s], r, sem)

    def scoped(ca, cb, r0, r1):
        base0 = t * CHUNKS * 2 * K

        pltpu.sync_copy(comb.at[pl.ds(base0, 4 * K)], ca)
        _gather(ca.at[pl.ds(0, K)], r0, g0)
        _gather(ca.at[pl.ds(2 * K, K)], r1, g1)

        def _step(p, cur, nxt):
            d0 = cur.at[pl.ds(K, K)]
            d1 = cur.at[pl.ds(3 * K, K)]
            pltpu.make_async_copy(hp0.at[cur.at[pl.ds(0, K)]], r0, g0).wait()
            pltpu.async_copy(r0, acc.at[d0], c0, add=True)
            pltpu.make_async_copy(hp0.at[cur.at[pl.ds(2 * K, K)]], r1,
                                  g1).wait()
            pltpu.async_copy(r1, acc.at[d1], c1, add=True)

            @pl.when(p < PAIRS - 1)
            def _():
                base = base0 + (2 * p + 2) * 2 * K
                pltpu.sync_copy(comb.at[pl.ds(base, 4 * K)], nxt)
                pltpu.make_async_copy(r0, acc.at[d0], c0).wait()
                _gather(nxt.at[pl.ds(0, K)], r0, g0)
                pltpu.make_async_copy(r1, acc.at[d1], c1).wait()
                _gather(nxt.at[pl.ds(2 * K, K)], r1, g1)

            @pl.when(p == PAIRS - 1)
            def _():
                pltpu.make_async_copy(r0, acc.at[d0], c0).wait()
                pltpu.make_async_copy(r1, acc.at[d1], c1).wait()

        def body(p, carry):
            @pl.when(p % 2 == 0)
            def _():
                _step(p, ca, cb)

            @pl.when(p % 2 == 1)
            def _():
                _step(p, cb, ca)

            return carry

        lax.fori_loop(0, PAIRS, body, 0)

    pl.run_scoped(
        scoped,
        pltpu.VMEM((4 * K,), jnp.int32),
        pltpu.VMEM((4 * K,), jnp.int32),
        pltpu.VMEM((K, HH), jnp.float32),
        pltpu.VMEM((K, HH), jnp.float32),
    )
    plsc.subcore_barrier()

    @pl.when(t < 15)
    def _():
        pltpu.sync_copy(acc.at[pl.ds(t * _Q, _Q)],
                        aggr.at[pl.ds(t * _Q, _Q), pl.ds(c * HH, HH)])

    @pl.when(t == 15)
    def _():
        pltpu.sync_copy(acc.at[pl.ds(15 * _Q, _QLAST)],
                        aggr.at[pl.ds(15 * _Q, _QLAST), pl.ds(c * HH, HH)])



def _tc_hp_body(bd_b, dg0_b, dg1_b, w5_b, attw_b, attb_b, hp0_b, hp1_b):
    m = lax.dot_general(w5_b[...], attw_b[...], (((1,), (0,)), ((), ())),
                        preferred_element_type=jnp.float32)
    cvec = lax.dot_general(attb_b[...], w5_b[...], (((1,), (1,)), ((), ())),
                           preferred_element_type=jnp.float32)
    h = lax.dot_general(bd_b[...], m, (((1,), (1,)), ((), ())),
                        precision=lax.Precision.HIGHEST,
                        preferred_element_type=jnp.float32) + cvec
    dinv = lax.rsqrt(dg0_b[0, :, 0:1] + dg1_b[0, :, 0:1] + 1.0)
    hp = h * dinv
    hp0_b[...] = hp[:, :HH]
    hp1_b[...] = hp[:, HH:]


_tc_hp = pl.pallas_call(
    _tc_hp_body,
    grid=(25,),
    in_specs=[
        pl.BlockSpec((2000, D), lambda i: (i, 0)),
        pl.BlockSpec((1, 2000, 16), lambda i: (0, i % 5, 0)),
        pl.BlockSpec((1, 2000, 16), lambda i: (1, i % 5, 0)),
        pl.BlockSpec((H, H), lambda i: (0, 0)),
        pl.BlockSpec((H, D), lambda i: (0, 0)),
        pl.BlockSpec((1, H), lambda i: (0, 0)),
    ],
    out_specs=[pl.BlockSpec((2000, HH), lambda i: (i, 0))] * 2,
    out_shape=[jax.ShapeDtypeStruct((NT, HH), jnp.float32)] * 2,
)


def _tc_postattn_body(a_b, dg0_b, dg1_b, b5_b, g_b, bb_b, w1_b, w2_b,
                      ab_b, node_b, nb_b):
    dinv = lax.rsqrt(dg0_b[0, :, 0:1] + dg1_b[0, :, 0:1] + 1.0)
    y = a_b[:, :H] * dinv + b5_b[...]
    mu = jnp.mean(y, axis=1, keepdims=True)
    var = jnp.mean((y - mu) * (y - mu), axis=1, keepdims=True)
    z = (y - mu) * lax.rsqrt(var + 1e-5) * g_b[...] + bb_b[...]
    z3 = z.reshape(400, S, H)
    t0 = z3[:, 0, :]
    node_b[...] = z3[:, 0:1, :]
    base = jnp.sum(t0 * w1_b[...], axis=1, keepdims=True) + ab_b[...]
    nbs = [z3[:, j, :] for j in range(1, S)]
    ls = [base + jnp.sum(nb * w2_b[...], axis=1, keepdims=True) for nb in nbs]
    m = jnp.maximum(jnp.maximum(ls[0], ls[1]), jnp.maximum(ls[2], ls[3]))
    es = [jnp.exp(l - m) for l in ls]
    tot = es[0] + es[1] + es[2] + es[3]
    for j in range(4):
        nb_b[:, j:j + 1, :] = (nbs[j] * (es[j] / tot))[:, None, :]


_tc_postattn = pl.pallas_call(
    _tc_postattn_body,
    grid=(25,),
    in_specs=[
        pl.BlockSpec((2000, 128), lambda i: (i, 0)),
        pl.BlockSpec((1, 2000, 16), lambda i: (0, i % 5, 0)),
        pl.BlockSpec((1, 2000, 16), lambda i: (1, i % 5, 0)),
        pl.BlockSpec((1, H), lambda i: (0, 0)),
        pl.BlockSpec((1, H), lambda i: (0, 0)),
        pl.BlockSpec((1, H), lambda i: (0, 0)),
        pl.BlockSpec((1, H), lambda i: (0, 0)),
        pl.BlockSpec((1, H), lambda i: (0, 0)),
        pl.BlockSpec((1, 1), lambda i: (0, 0)),
    ],
    out_specs=[
        pl.BlockSpec((400, 1, H), lambda i: (i, 0, 0)),
        pl.BlockSpec((400, 4, H), lambda i: (i, 0, 0)),
    ],
    out_shape=[
        jax.ShapeDtypeStruct((N, 1, H), jnp.float32),
        jax.ShapeDtypeStruct((N, 4, H), jnp.float32),
    ],
)


def kernel(batched_data, edge_index, att_W, att_b, gcn_W, gcn_b,
           ln_g, ln_b, attn_W, attn_b):
    bd2 = batched_data.reshape(NT, D)
    src = edge_index[0]
    dst = edge_index[1]
    offs = (jnp.arange(S, dtype=jnp.int32) * N)[:, None]
    src5 = (src[None, :] + offs).reshape(-1)
    dst5 = (dst[None, :] + offs).reshape(-1)
    comb = jnp.stack([src5.reshape(-1, K), dst5.reshape(-1, K)],
                     axis=1).reshape(-1)
    zeros_c = jnp.zeros((632, 16), jnp.float32)
    ones_c = jnp.ones((1000, 16), jnp.float32)

    degp = _sc_degree(dst, zeros_c, ones_c)
    hp0, hp1 = _tc_hp(bd2, degp, degp, gcn_W[5], att_W, att_b.reshape(1, H))
    aggr = _sc_scatter(hp0, hp1, comb)
    node_tensor, neighbor_tensor = _tc_postattn(
        aggr, degp, degp, gcn_b[5].reshape(1, H), ln_g.reshape(1, H),
        ln_b.reshape(1, H), attn_W[:, :H], attn_W[:, H:],
        attn_b.reshape(1, 1))
    return (node_tensor, neighbor_tensor)

# --- scband reference (transcript-rebuilt; emitter-appended) ---
"""Pipeline reference for scband-lgcn-80255758893342 (READ-ONLY COPY).

The authoritative reference and input builder live on the scoring server;
editing this copy changes nothing except your own understanding.
"""

import jax, jax.numpy as jnp
import numpy as np

N_NODES = 10000
SEQ_LEN = 5
IN_DIM = 128
HID = 64
N_LAYERS = 6
N_EDGES = 320000


def setup_inputs(seed: int = 0) -> dict:
    key = jax.random.key(seed)
    ks = jax.random.split(key, 12)
    std = 0.02 / np.sqrt(N_LAYERS)
    batched_data = jax.random.normal(ks[0], (N_NODES, SEQ_LEN, IN_DIM), dtype=jnp.float32)
    edge_index = jax.random.randint(ks[1], (2, N_EDGES), 0, N_NODES, dtype=jnp.int32)
    att_W = jax.random.normal(ks[2], (HID, IN_DIM), dtype=jnp.float32) * std
    att_b = jnp.zeros((HID,), dtype=jnp.float32)
    gcn_W = jax.random.normal(ks[3], (N_LAYERS, HID, HID), dtype=jnp.float32) * std
    gcn_b = jnp.zeros((N_LAYERS, HID), dtype=jnp.float32)
    ln_g = jnp.ones((HID,), dtype=jnp.float32)
    ln_b = jnp.zeros((HID,), dtype=jnp.float32)
    attn_W = jax.random.normal(ks[4], (1, 2 * HID), dtype=jnp.float32) * std
    attn_b = jnp.zeros((1,), dtype=jnp.float32)
    return {
        "batched_data": batched_data,
        "edge_index": edge_index,
        "att_W": att_W,
        "att_b": att_b,
        "gcn_W": gcn_W,
        "gcn_b": gcn_b,
        "ln_g": ln_g,
        "ln_b": ln_b,
        "attn_W": attn_W,
        "attn_b": attn_b,
    }


def reference(batched_data, edge_index, att_W, att_b, gcn_W, gcn_b, ln_g, ln_b, attn_W, attn_b):
    N, S, D = batched_data.shape
    H = att_W.shape[0]
    # att_embeddings_nope
    tensor = batched_data @ att_W.T + att_b  # [N, S, H]
    x2d = tensor.reshape(-1, H)  # [N*S, H]
    n_tot = N * S
    # batched edge index: concat of (edge_index + i*N) for i in range(S)
    offs = jnp.arange(S, dtype=edge_index.dtype) * N
    be = (edge_index[:, None, :] + offs[None, :, None]).reshape(2, -1)  # [2, S*E]
    src, dst = be[0], be[1]
    # GCNConv (PyG-style): add self loops, symmetric normalization, scatter-add
    loop = jnp.arange(n_tot, dtype=src.dtype)
    src_f = jnp.concatenate([src, loop])
    dst_f = jnp.concatenate([dst, loop])
    deg = jnp.zeros((n_tot,), jnp.float32).at[dst_f].add(1.0)
    dinv = jnp.where(deg > 0, 1.0 / jnp.sqrt(deg), 0.0)
    norm = dinv[src_f] * dinv[dst_f]
    # original code applies every layer to the SAME node_features_2d;
    # only the last layer's output survives -- translated faithfully
    gcn_output = x2d
    for l in range(gcn_W.shape[0]):
        h = x2d @ gcn_W[l].T
        msg = h[src_f] * norm[:, None]
        gcn_output = jnp.zeros((n_tot, H), h.dtype).at[dst_f].add(msg) + gcn_b[l]
    tensor = gcn_output.reshape(N, S, H)
    # final LayerNorm
    mu = tensor.mean(axis=-1, keepdims=True)
    var = jnp.var(tensor, axis=-1, keepdims=True)
    output = (tensor - mu) / jnp.sqrt(var + 1e-5) * ln_g + ln_b
    node_tensor = output[:, :1, :]
    neighbor_tensor = output[:, 1:, :]
    target = jnp.repeat(output[:, :1, :], S - 1, axis=1)
    cat = jnp.concatenate([target, neighbor_tensor], axis=2)
    layer_atten = cat @ attn_W.T + attn_b  # [N, S-1, 1]
    layer_atten = jax.nn.softmax(layer_atten, axis=1)
    neighbor_tensor = neighbor_tensor * layer_atten
    return (node_tensor, neighbor_tensor)

if __name__ == "__main__":
    import jax
    _d = setup_inputs()
    print(jax.jit(kernel)(*tuple(_d.values())))

</pallas_src>

<mosaic_0001>
#map = affine_map<(d0, d1) -> (0)>
#map1 = affine_map<(d0, d1) -> (0, 0)>
#map2 = affine_map<(d0, d1) -> (0, 0, 0)>
module attributes {stable_mosaic.version = 14 : i64} {
  func.func @_sc_degree(%arg0: i32, %arg1: i32, %arg2: memref<320000xi32, #tpu.memory_space<hbm>>, %arg3: memref<632x16xf32, #tpu.memory_space<hbm>>, %arg4: memref<1000x16xf32, #tpu.memory_space<hbm>>, %arg5: memref<2x10112x16xf32, #tpu.memory_space<hbm>>, %arg6: memref<1000xi32, #tpu.memory_space<vmem>>, %arg7: memref<1000x16xf32, #tpu.memory_space<vmem>>, %arg8: memref<10112x16xf32, #tpu.memory_space<vmem_shared>>) attributes {dimension_semantics = [#tpu.dimension_semantics<core_parallel>, #tpu.dimension_semantics<subcore_parallel>], iteration_bounds = array<i64: 2, 16>, scalar_prefetch = 0 : i64, scratch_operands = 3 : i64, tpu.core_type = #tpu.core_type<sc_vector_subcore>, window_params = [{transform_indices = #map}, {transform_indices = #map1}, {transform_indices = #map1}, {transform_indices = #map2}]} {
    %mul3A = arith.constant 632 : i32
    %mul3A_0 = arith.muli %arg1, %mul3A : i32
    "tpu.region"() ({
      %run_scoped3A = tpu.sem_alloc : memref<!tpu.dma_semaphore, #tpu.memory_space<semaphore_mem>>
      %dma_start3A = arith.constant 0 : i32
      %dma_start3A_11 = tpu.memref_slice %arg8[%mul3A_0, %dma_start3A] : memref<10112x16xf32, #tpu.memory_space<vmem_shared>> -> memref<632x16xf32, #tpu.memory_space<vmem_shared>>
      tpu.enqueue_dma source(%arg3 : memref<632x16xf32, #tpu.memory_space<hbm>>) target(%dma_start3A_11 : memref<632x16xf32, #tpu.memory_space<vmem_shared>>) target_semaphore(%run_scoped3A : memref<!tpu.dma_semaphore, #tpu.memory_space<semaphore_mem>>)
      %dma_wait3A = arith.constant 0 : i32
      %dma_wait3A_12 = tpu.memref_slice %arg8[%mul3A_0, %dma_wait3A] : memref<10112x16xf32, #tpu.memory_space<vmem_shared>> -> memref<632x16xf32, #tpu.memory_space<vmem_shared>>
      tpu.wait_dma2 semaphore(%run_scoped3A : memref<!tpu.dma_semaphore, #tpu.memory_space<semaphore_mem>>) src(%arg3 : memref<632x16xf32, #tpu.memory_space<hbm>>) dst(%dma_wait3A_12 : memref<632x16xf32, #tpu.memory_space<vmem_shared>>)
      tpu.yield
    }) : () -> ()
    "tpu.region"() ({
      %run_scoped3A = tpu.sem_alloc : memref<!tpu.dma_semaphore, #tpu.memory_space<semaphore_mem>>
      tpu.enqueue_dma source(%arg4 : memref<1000x16xf32, #tpu.memory_space<hbm>>) target(%arg7 : memref<1000x16xf32, #tpu.memory_space<vmem>>) target_semaphore(%run_scoped3A : memref<!tpu.dma_semaphore, #tpu.memory_space<semaphore_mem>>)
      tpu.wait_dma2 semaphore(%run_scoped3A : memref<!tpu.dma_semaphore, #tpu.memory_space<semaphore_mem>>) src(%arg4 : memref<1000x16xf32, #tpu.memory_space<hbm>>) dst(%arg7 : memref<1000x16xf32, #tpu.memory_space<vmem>>)
      tpu.yield
    }) : () -> ()
    %barrier3A = arith.constant 0 : index
    tpu.barrier barrier_id(%barrier3A)
    %scan3A = arith.constant 0 : i32
    %scan3A_1 = arith.constant 0 : i32
    %scan3A_2 = arith.constant 10 : i32
    %scan3A_3 = arith.addi %scan3A_1, %scan3A_2 : i32
    %scan3A_4 = arith.constant 1 : i32
    scf.for %scan3A_11 = %scan3A_1 to %scan3A_3 step %scan3A_4  : i32 {
      %mul3A_12 = arith.constant 16 : i32
      %mul3A_13 = arith.muli %arg0, %mul3A_12 : i32
      %add3A = arith.addi %mul3A_13, %arg1 : i32
      %mul3A_14 = arith.constant 10000 : i32
      %mul3A_15 = arith.muli %add3A, %mul3A_14 : i32
      %mul3A_16 = arith.constant 1000 : i32
      %mul3A_17 = arith.muli %scan3A_11, %mul3A_16 : i32
      %add3A_18 = arith.addi %mul3A_15, %mul3A_17 : i32
      "tpu.region"() ({
        %run_scoped3A = tpu.sem_alloc : memref<!tpu.dma_semaphore, #tpu.memory_space<semaphore_mem>>
        %dma_start3A = tpu.memref_slice %arg2[%add3A_18] : memref<320000xi32, #tpu.memory_space<hbm>> -> memref<1000xi32, #tpu.memory_space<hbm>>
        %dma_start3A_19 = tpu.memref_slice %arg2[%add3A_18] : memref<320000xi32, #tpu.memory_space<hbm>> -> memref<1000xi32, #tpu.memory_space<hbm>>
        tpu.enqueue_dma source(%dma_start3A_19 : memref<1000xi32, #tpu.memory_space<hbm>>) target(%arg6 : memref<1000xi32, #tpu.memory_space<vmem>>) target_semaphore(%run_scoped3A : memref<!tpu.dma_semaphore, #tpu.memory_space<semaphore_mem>>)
        %dma_wait3A = tpu.memref_slice %arg2[%add3A_18] : memref<320000xi32, #tpu.memory_space<hbm>> -> memref<1000xi32, #tpu.memory_space<hbm>>
        %dma_wait3A_20 = tpu.memref_slice %arg2[%add3A_18] : memref<320000xi32, #tpu.memory_space<hbm>> -> memref<1000xi32, #tpu.memory_space<hbm>>
        tpu.wait_dma2 semaphore(%run_scoped3A : memref<!tpu.dma_semaphore, #tpu.memory_space<semaphore_mem>>) src(%dma_wait3A_20 : memref<1000xi32, #tpu.memory_space<hbm>>) dst(%arg6 : memref<1000xi32, #tpu.memory_space<vmem>>)
        tpu.yield
      }) : () -> ()
      "tpu.region"() ({
        %run_scoped3A = tpu.sem_alloc : memref<!tpu.dma_semaphore, #tpu.memory_space<semaphore_mem>>
        %dma_start3A = arith.constant 0 : i32
        %dma_start3A_19 = arith.constant 0 : i32
        %dma_start3A_20 = tpu.memref_slice %arg8[%dma_start3A, %dma_start3A_19] : memref<10112x16xf32, #tpu.memory_space<vmem_shared>> -> memref<10112x16xf32, #tpu.memory_space<vmem_shared>>
        tpu.enqueue_indirect_dma source(%arg7 : memref<1000x16xf32, #tpu.memory_space<vmem>>) target(%dma_start3A_20 : memref<10112x16xf32, #tpu.memory_space<vmem_shared>>) offsets(%arg6 : memref<1000xi32, #tpu.memory_space<vmem>>) semaphore(%run_scoped3A : memref<!tpu.dma_semaphore, #tpu.memory_space<semaphore_mem>>) {add = true}
        %dma_wait3A = arith.constant 0 : i32
        %dma_wait3A_21 = arith.constant 0 : i32
        %dma_wait3A_22 = tpu.memref_slice %arg8[%dma_wait3A, %dma_wait3A_21] : memref<10112x16xf32, #tpu.memory_space<vmem_shared>> -> memref<10112x16xf32, #tpu.memory_space<vmem_shared>>
        tpu.wait_indirect_dma semaphore(%run_scoped3A : memref<!tpu.dma_semaphore, #tpu.memory_space<semaphore_mem>>) src(%arg7 : memref<1000x16xf32, #tpu.memory_space<vmem>>) dst(%dma_wait3A_22 : memref<10112x16xf32, #tpu.memory_space<vmem_shared>>)
        tpu.yield
      }) : () -> ()
    }
    %scan3A_5 = arith.constant 10 : i32
    %barrier3A_6 = arith.constant 0 : index
    tpu.barrier barrier_id(%barrier3A_6)
    %mul3A_7 = arith.constant 632 : i32
    %mul3A_8 = arith.muli %arg1, %mul3A_7 : i32
    %mul3A_9 = arith.constant 632 : i32
    %mul3A_10 = arith.muli %arg1, %mul3A_9 : i32
    "tpu.region"() ({
      %run_scoped3A = tpu.sem_alloc : memref<!tpu.dma_semaphore, #tpu.memory_space<semaphore_mem>>
      %dma_start3A = arith.constant 0 : i32
      %dma_start3A_11 = tpu.memref_slice %arg5[%arg0, %mul3A_10, %dma_start3A] : memref<2x10112x16xf32, #tpu.memory_space<hbm>> -> memref<1x632x16xf32, #tpu.memory_space<hbm>>
      %dma_start3A_12 = tpu.memref_squeeze %dma_start3A_11 : memref<1x632x16xf32, #tpu.memory_space<hbm>> -> memref<632x16xf32, #tpu.memory_space<hbm>>
      %dma_start3A_13 = arith.constant 0 : i32
      %dma_start3A_14 = tpu.memref_slice %arg8[%mul3A_8, %dma_start3A_13] : memref<10112x16xf32, #tpu.memory_space<vmem_shared>> -> memref<632x16xf32, #tpu.memory_space<vmem_shared>>
      tpu.enqueue_dma source(%dma_start3A_14 : memref<632x16xf32, #tpu.memory_space<vmem_shared>>) target(%dma_start3A_12 : memref<632x16xf32, #tpu.memory_space<hbm>>) target_semaphore(%run_scoped3A : memref<!tpu.dma_semaphore, #tpu.memory_space<semaphore_mem>>)
      %dma_wait3A = arith.constant 0 : i32
      %dma_wait3A_15 = tpu.memref_slice %arg5[%arg0, %mul3A_10, %dma_wait3A] : memref<2x10112x16xf32, #tpu.memory_space<hbm>> -> memref<1x632x16xf32, #tpu.memory_space<hbm>>
      %dma_wait3A_16 = tpu.memref_squeeze %dma_wait3A_15 : memref<1x632x16xf32, #tpu.memory_space<hbm>> -> memref<632x16xf32, #tpu.memory_space<hbm>>
      %dma_wait3A_17 = arith.constant 0 : i32
      %dma_wait3A_18 = tpu.memref_slice %arg8[%mul3A_8, %dma_wait3A_17] : memref<10112x16xf32, #tpu.memory_space<vmem_shared>> -> memref<632x16xf32, #tpu.memory_space<vmem_shared>>
      tpu.wait_dma2 semaphore(%run_scoped3A : memref<!tpu.dma_semaphore, #tpu.memory_space<semaphore_mem>>) src(%dma_wait3A_18 : memref<632x16xf32, #tpu.memory_space<vmem_shared>>) dst(%dma_wait3A_16 : memref<632x16xf32, #tpu.memory_space<hbm>>)
      tpu.yield
    }) : () -> ()
    return
  }
}

#map = affine_map<(d0, d1) -> (0, 0)>
#map1 = affine_map<(d0, d1) -> (0)>
module attributes {stable_mosaic.version = 14 : i64} {
  func.func @_sc_scatter(%arg0: i32, %arg1: i32, %arg2: memref<50000x32xf32, #tpu.memory_space<hbm>>, %arg3: memref<50000x32xf32, #tpu.memory_space<hbm>>, %arg4: memref<3200000xi32, #tpu.memory_space<hbm>>, %arg5: memref<50000x128xf32, #tpu.memory_space<hbm>>, %arg6: memref<50000x32xf32, #tpu.memory_space<vmem_shared>>, %arg7: memref<!tpu.dma_semaphore, #tpu.memory_space<semaphore_mem>>, %arg8: memref<!tpu.dma_semaphore, #tpu.memory_space<semaphore_mem>>, %arg9: memref<!tpu.dma_semaphore, #tpu.memory_space<semaphore_mem>>, %arg10: memref<!tpu.dma_semaphore, #tpu.memory_space<semaphore_mem>>) attributes {dimension_semantics = [#tpu.dimension_semantics<core_parallel>, #tpu.dimension_semantics<subcore_parallel>], iteration_bounds = array<i64: 2, 16>, scalar_prefetch = 0 : i64, scratch_operands = 5 : i64, tpu.core_type = #tpu.core_type<sc_vector_subcore>, window_params = [{transform_indices = #map}, {transform_indices = #map}, {transform_indices = #map1}, {transform_indices = #map}]} {
    %eq3A = arith.constant 0 : i32
    %eq3A_0 = arith.cmpi eq, %arg0, %eq3A : i32
    %convert_element_type3A = arith.extui %eq3A_0 : i1 to i32
    %cond3A = arith.constant 0 : i32
    %cond3A_1 = arith.cmpi ne, %convert_element_type3A, %cond3A : i32
    scf.if %cond3A_1 {
      %lt3A_17 = arith.constant 15 : i32
      %lt3A_18 = arith.cmpi slt, %arg1, %lt3A_17 : i32
      %convert_element_type3A_19 = arith.extui %lt3A_18 : i1 to i32
      %cond3A_20 = arith.constant 0 : i32
      %cond3A_21 = arith.cmpi ne, %convert_element_type3A_19, %cond3A_20 : i32
      scf.if %cond3A_21 {
        %mul3A = arith.constant 3128 : i32
        %mul3A_27 = arith.muli %arg1, %mul3A : i32
        %mul3A_28 = arith.constant 3128 : i32
        %mul3A_29 = arith.muli %arg1, %mul3A_28 : i32
        "tpu.region"() ({
          %run_scoped3A = tpu.sem_alloc : memref<!tpu.dma_semaphore, #tpu.memory_space<semaphore_mem>>
          %dma_start3A = arith.constant 0 : i32
          %dma_start3A_30 = tpu.memref_slice %arg6[%mul3A_29, %dma_start3A] : memref<50000x32xf32, #tpu.memory_space<vmem_shared>> -> memref<3128x32xf32, #tpu.memory_space<vmem_shared>>
          %dma_start3A_31 = arith.constant 0 : i32
          %dma_start3A_32 = tpu.memref_slice %arg2[%mul3A_27, %dma_start3A_31] : memref<50000x32xf32, #tpu.memory_space<hbm>> -> memref<3128x32xf32, #tpu.memory_space<hbm>>
          tpu.enqueue_dma source(%dma_start3A_32 : memref<3128x32xf32, #tpu.memory_space<hbm>>) target(%dma_start3A_30 : memref<3128x32xf32, #tpu.memory_space<vmem_shared>>) target_semaphore(%run_scoped3A : memref<!tpu.dma_semaphore, #tpu.memory_space<semaphore_mem>>)
          %dma_wait3A = arith.constant 0 : i32
          %dma_wait3A_33 = tpu.memref_slice %arg6[%mul3A_29, %dma_wait3A] : memref<50000x32xf32, #tpu.memory_space<vmem_shared>> -> memref<3128x32xf32, #tpu.memory_space<vmem_shared>>
          %dma_wait3A_34 = arith.constant 0 : i32
          %dma_wait3A_35 = tpu.memref_slice %arg2[%mul3A_27, %dma_wait3A_34] : memref<50000x32xf32, #tpu.memory_space<hbm>> -> memref<3128x32xf32, #tpu.memory_space<hbm>>
          tpu.wait_dma2 semaphore(%run_scoped3A : memref<!tpu.dma_semaphore, #tpu.memory_space<semaphore_mem>>) src(%dma_wait3A_35 : memref<3128x32xf32, #tpu.memory_space<hbm>>) dst(%dma_wait3A_33 : memref<3128x32xf32, #tpu.memory_space<vmem_shared>>)
          tpu.yield
        }) : () -> ()
      } else {
      }
      %eq3A_22 = arith.constant 15 : i32
      %eq3A_23 = arith.cmpi eq, %arg1, %eq3A_22 : i32
      %convert_element_type3A_24 = arith.extui %eq3A_23 : i1 to i32
      %cond3A_25 = arith.constant 0 : i32
      %cond3A_26 = arith.cmpi ne, %convert_element_type3A_24, %cond3A_25 : i32
      scf.if %cond3A_26 {
        "tpu.region"() ({
          %run_scoped3A = tpu.sem_alloc : memref<!tpu.dma_semaphore, #tpu.memory_space<semaphore_mem>>
          %dma_start3A = arith.constant 46920 : i32
          %dma_start3A_27 = arith.constant 0 : i32
          %dma_start3A_28 = tpu.memref_slice %arg6[%dma_start3A, %dma_start3A_27] : memref<50000x32xf32, #tpu.memory_space<vmem_shared>> -> memref<3080x32xf32, #tpu.memory_space<vmem_shared>>
          %dma_start3A_29 = arith.constant 46920 : i32
          %dma_start3A_30 = arith.constant 0 : i32
          %dma_start3A_31 = tpu.memref_slice %arg2[%dma_start3A_29, %dma_start3A_30] : memref<50000x32xf32, #tpu.memory_space<hbm>> -> memref<3080x32xf32, #tpu.memory_space<hbm>>
          tpu.enqueue_dma source(%dma_start3A_31 : memref<3080x32xf32, #tpu.memory_space<hbm>>) target(%dma_start3A_28 : memref<3080x32xf32, #tpu.memory_space<vmem_shared>>) target_semaphore(%run_scoped3A : memref<!tpu.dma_semaphore, #tpu.memory_space<semaphore_mem>>)
          %dma_wait3A = arith.constant 46920 : i32
          %dma_wait3A_32 = arith.constant 0 : i32
          %dma_wait3A_33 = tpu.memref_slice %arg6[%dma_wait3A, %dma_wait3A_32] : memref<50000x32xf32, #tpu.memory_space<vmem_shared>> -> memref<3080x32xf32, #tpu.memory_space<vmem_shared>>
          %dma_wait3A_34 = arith.constant 46920 : i32
          %dma_wait3A_35 = arith.constant 0 : i32
          %dma_wait3A_36 = tpu.memref_slice %arg2[%dma_wait3A_34, %dma_wait3A_35] : memref<50000x32xf32, #tpu.memory_space<hbm>> -> memref<3080x32xf32, #tpu.memory_space<hbm>>
          tpu.wait_dma2 semaphore(%run_scoped3A : memref<!tpu.dma_semaphore, #tpu.memory_space<semaphore_mem>>) src(%dma_wait3A_36 : memref<3080x32xf32, #tpu.memory_space<hbm>>) dst(%dma_wait3A_33 : memref<3080x32xf32, #tpu.memory_space<vmem_shared>>)
          tpu.yield
        }) : () -> ()
      } else {
      }
    } else {
    }
    %eq3A_2 = arith.constant 1 : i32
    %eq3A_3 = arith.cmpi eq, %arg0, %eq3A_2 : i32
    %convert_element_type3A_4 = arith.extui %eq3A_3 : i1 to i32
    %cond3A_5 = arith.constant 0 : i32
    %cond3A_6 = arith.cmpi ne, %convert_element_type3A_4, %cond3A_5 : i32
    scf.if %cond3A_6 {
      %lt3A_17 = arith.constant 15 : i32
      %lt3A_18 = arith.cmpi slt, %arg1, %lt3A_17 : i32
      %convert_element_type3A_19 = arith.extui %lt3A_18 : i1 to i32
      %cond3A_20 = arith.constant 0 : i32
      %cond3A_21 = arith.cmpi ne, %convert_element_type3A_19, %cond3A_20 : i32
      scf.if %cond3A_21 {
        %mul3A = arith.constant 3128 : i32
        %mul3A_27 = arith.muli %arg1, %mul3A : i32
        %mul3A_28 = arith.constant 3128 : i32
        %mul3A_29 = arith.muli %arg1, %mul3A_28 : i32
        "tpu.region"() ({
          %run_scoped3A = tpu.sem_alloc : memref<!tpu.dma_semaphore, #tpu.memory_space<semaphore_mem>>
          %dma_start3A = arith.constant 0 : i32
          %dma_start3A_30 = tpu.memref_slice %arg6[%mul3A_29, %dma_start3A] : memref<50000x32xf32, #tpu.memory_space<vmem_shared>> -> memref<3128x32xf32, #tpu.memory_space<vmem_shared>>
          %dma_start3A_31 = arith.constant 0 : i32
          %dma_start3A_32 = tpu.memref_slice %arg3[%mul3A_27, %dma_start3A_31] : memref<50000x32xf32, #tpu.memory_space<hbm>> -> memref<3128x32xf32, #tpu.memory_space<hbm>>
          tpu.enqueue_dma source(%dma_start3A_32 : memref<3128x32xf32, #tpu.memory_space<hbm>>) target(%dma_start3A_30 : memref<3128x32xf32, #tpu.memory_space<vmem_shared>>) target_semaphore(%run_scoped3A : memref<!tpu.dma_semaphore, #tpu.memory_space<semaphore_mem>>)
          %dma_wait3A = arith.constant 0 : i32
          %dma_wait3A_33 = tpu.memref_slice %arg6[%mul3A_29, %dma_wait3A] : memref<50000x32xf32, #tpu.memory_space<vmem_shared>> -> memref<3128x32xf32, #tpu.memory_space<vmem_shared>>
          %dma_wait3A_34 = arith.constant 0 : i32
          %dma_wait3A_35 = tpu.memref_slice %arg3[%mul3A_27, %dma_wait3A_34] : memref<50000x32xf32, #tpu.memory_space<hbm>> -> memref<3128x32xf32, #tpu.memory_space<hbm>>
          tpu.wait_dma2 semaphore(%run_scoped3A : memref<!tpu.dma_semaphore, #tpu.memory_space<semaphore_mem>>) src(%dma_wait3A_35 : memref<3128x32xf32, #tpu.memory_space<hbm>>) dst(%dma_wait3A_33 : memref<3128x32xf32, #tpu.memory_space<vmem_shared>>)
          tpu.yield
        }) : () -> ()
      } else {
      }
      %eq3A_22 = arith.constant 15 : i32
      %eq3A_23 = arith.cmpi eq, %arg1, %eq3A_22 : i32
      %convert_element_type3A_24 = arith.extui %eq3A_23 : i1 to i32
      %cond3A_25 = arith.constant 0 : i32
      %cond3A_26 = arith.cmpi ne, %convert_element_type3A_24, %cond3A_25 : i32
      scf.if %cond3A_26 {
        "tpu.region"() ({
          %run_scoped3A = tpu.sem_alloc : memref<!tpu.dma_semaphore, #tpu.memory_space<semaphore_mem>>
          %dma_start3A = arith.constant 46920 : i32
          %dma_start3A_27 = arith.constant 0 : i32
          %dma_start3A_28 = tpu.memref_slice %arg6[%dma_start3A, %dma_start3A_27] : memref<50000x32xf32, #tpu.memory_space<vmem_shared>> -> memref<3080x32xf32, #tpu.memory_space<vmem_shared>>
          %dma_start3A_29 = arith.constant 46920 : i32
          %dma_start3A_30 = arith.constant 0 : i32
          %dma_start3A_31 = tpu.memref_slice %arg3[%dma_start3A_29, %dma_start3A_30] : memref<50000x32xf32, #tpu.memory_space<hbm>> -> memref<3080x32xf32, #tpu.memory_space<hbm>>
          tpu.enqueue_dma source(%dma_start3A_31 : memref<3080x32xf32, #tpu.memory_space<hbm>>) target(%dma_start3A_28 : memref<3080x32xf32, #tpu.memory_space<vmem_shared>>) target_semaphore(%run_scoped3A : memref<!tpu.dma_semaphore, #tpu.memory_space<semaphore_mem>>)
          %dma_wait3A = arith.constant 46920 : i32
          %dma_wait3A_32 = arith.constant 0 : i32
          %dma_wait3A_33 = tpu.memref_slice %arg6[%dma_wait3A, %dma_wait3A_32] : memref<50000x32xf32, #tpu.memory_space<vmem_shared>> -> memref<3080x32xf32, #tpu.memory_space<vmem_shared>>
          %dma_wait3A_34 = arith.constant 46920 : i32
          %dma_wait3A_35 = arith.constant 0 : i32
          %dma_wait3A_36 = tpu.memref_slice %arg3[%dma_wait3A_34, %dma_wait3A_35] : memref<50000x32xf32, #tpu.memory_space<hbm>> -> memref<3080x32xf32, #tpu.memory_space<hbm>>
          tpu.wait_dma2 semaphore(%run_scoped3A : memref<!tpu.dma_semaphore, #tpu.memory_space<semaphore_mem>>) src(%dma_wait3A_36 : memref<3080x32xf32, #tpu.memory_space<hbm>>) dst(%dma_wait3A_33 : memref<3080x32xf32, #tpu.memory_space<vmem_shared>>)
          tpu.yield
        }) : () -> ()
      } else {
      }
    } else {
    }
    %barrier3A = arith.constant 0 : index
    tpu.barrier barrier_id(%barrier3A)
    "tpu.region"() ({
      %run_scoped3A = memref.alloca() : memref<1600xi32, #tpu.memory_space<vmem>>
      %run_scoped3A_17 = memref.alloca() : memref<1600xi32, #tpu.memory_space<vmem>>
      %run_scoped3A_18 = memref.alloca() : memref<400x32xf32, #tpu.memory_space<vmem>>
      %run_scoped3A_19 = memref.alloca() : memref<400x32xf32, #tpu.memory_space<vmem>>
      %mul3A = arith.constant 250 : i32
      %mul3A_20 = arith.muli %arg1, %mul3A : i32
      %mul3A_21 = arith.constant 2 : i32
      %mul3A_22 = arith.muli %mul3A_20, %mul3A_21 : i32
      %mul3A_23 = arith.constant 400 : i32
      %mul3A_24 = arith.muli %mul3A_22, %mul3A_23 : i32
      "tpu.region"() ({
        %run_scoped3A_50 = tpu.sem_alloc : memref<!tpu.dma_semaphore, #tpu.memory_space<semaphore_mem>>
        %dma_start3A = tpu.memref_slice %arg4[%mul3A_24] : memref<3200000xi32, #tpu.memory_space<hbm>> -> memref<1600xi32, #tpu.memory_space<hbm>>
        %dma_start3A_51 = tpu.memref_slice %arg4[%mul3A_24] : memref<3200000xi32, #tpu.memory_space<hbm>> -> memref<1600xi32, #tpu.memory_space<hbm>>
        tpu.enqueue_dma source(%dma_start3A_51 : memref<1600xi32, #tpu.memory_space<hbm>>) target(%run_scoped3A : memref<1600xi32, #tpu.memory_space<vmem>>) target_semaphore(%run_scoped3A_50 : memref<!tpu.dma_semaphore, #tpu.memory_space<semaphore_mem>>)
        %dma_wait3A = tpu.memref_slice %arg4[%mul3A_24] : memref<3200000xi32, #tpu.memory_space<hbm>> -> memref<1600xi32, #tpu.memory_space<hbm>>
        %dma_wait3A_52 = tpu.memref_slice %arg4[%mul3A_24] : memref<3200000xi32, #tpu.memory_space<hbm>> -> memref<1600xi32, #tpu.memory_space<hbm>>
        tpu.wait_dma2 semaphore(%run_scoped3A_50 : memref<!tpu.dma_semaphore, #tpu.memory_space<semaphore_mem>>) src(%dma_wait3A_52 : memref<1600xi32, #tpu.memory_space<hbm>>) dst(%run_scoped3A : memref<1600xi32, #tpu.memory_space<vmem>>)
        tpu.yield
      }) : () -> ()
      %eq3A_25 = arith.constant 0 : i32
      %eq3A_26 = arith.cmpi eq, %arg0, %eq3A_25 : i32
      %convert_element_type3A_27 = arith.extui %eq3A_26 : i1 to i32
      %cond3A_28 = arith.constant 0 : i32
      %cond3A_29 = arith.cmpi ne, %convert_element_type3A_27, %cond3A_28 : i32
      scf.if %cond3A_29 {
        %dma_start3A = arith.constant 0 : i32
        %dma_start3A_50 = tpu.memref_slice %run_scoped3A[%dma_start3A] : memref<1600xi32, #tpu.memory_space<vmem>> -> memref<400xi32, #tpu.memory_space<vmem>>
        %dma_start3A_51 = arith.constant 0 : i32
        %dma_start3A_52 = arith.constant 0 : i32
        %dma_start3A_53 = tpu.memref_slice %arg2[%dma_start3A_51, %dma_start3A_52] : memref<50000x32xf32, #tpu.memory_space<hbm>> -> memref<50000x32xf32, #tpu.memory_space<hbm>>
        tpu.enqueue_indirect_dma source(%dma_start3A_53 : memref<50000x32xf32, #tpu.memory_space<hbm>>) target(%run_scoped3A_18 : memref<400x32xf32, #tpu.memory_space<vmem>>) offsets(%dma_start3A_50 : memref<400xi32, #tpu.memory_space<vmem>>) semaphore(%arg7 : memref<!tpu.dma_semaphore, #tpu.memory_space<semaphore_mem>>)
      } else {
      }
      %eq3A_30 = arith.constant 1 : i32
      %eq3A_31 = arith.cmpi eq, %arg0, %eq3A_30 : i32
      %convert_element_type3A_32 = arith.extui %eq3A_31 : i1 to i32
      %cond3A_33 = arith.constant 0 : i32
      %cond3A_34 = arith.cmpi ne, %convert_element_type3A_32, %cond3A_33 : i32
      scf.if %cond3A_34 {
        %dma_start3A = arith.constant 0 : i32
        %dma_start3A_50 = tpu.memref_slice %run_scoped3A[%dma_start3A] : memref<1600xi32, #tpu.memory_space<vmem>> -> memref<400xi32, #tpu.memory_space<vmem>>
        %dma_start3A_51 = arith.constant 0 : i32
        %dma_start3A_52 = arith.constant 0 : i32
        %dma_start3A_53 = tpu.memref_slice %arg3[%dma_start3A_51, %dma_start3A_52] : memref<50000x32xf32, #tpu.memory_space<hbm>> -> memref<50000x32xf32, #tpu.memory_space<hbm>>
        tpu.enqueue_indirect_dma source(%dma_start3A_53 : memref<50000x32xf32, #tpu.memory_space<hbm>>) target(%run_scoped3A_18 : memref<400x32xf32, #tpu.memory_space<vmem>>) offsets(%dma_start3A_50 : memref<400xi32, #tpu.memory_space<vmem>>) semaphore(%arg7 : memref<!tpu.dma_semaphore, #tpu.memory_space<semaphore_mem>>)
      } else {
      }
      %eq3A_35 = arith.constant 0 : i32
      %eq3A_36 = arith.cmpi eq, %arg0, %eq3A_35 : i32
      %convert_element_type3A_37 = arith.extui %eq3A_36 : i1 to i32
      %cond3A_38 = arith.constant 0 : i32
      %cond3A_39 = arith.cmpi ne, %convert_element_type3A_37, %cond3A_38 : i32
      scf.if %cond3A_39 {
        %dma_start3A = arith.constant 800 : i32
        %dma_start3A_50 = tpu.memref_slice %run_scoped3A[%dma_start3A] : memref<1600xi32, #tpu.memory_space<vmem>> -> memref<400xi32, #tpu.memory_space<vmem>>
        %dma_start3A_51 = arith.constant 0 : i32
        %dma_start3A_52 = arith.constant 0 : i32
        %dma_start3A_53 = tpu.memref_slice %arg2[%dma_start3A_51, %dma_start3A_52] : memref<50000x32xf32, #tpu.memory_space<hbm>> -> memref<50000x32xf32, #tpu.memory_space<hbm>>
        tpu.enqueue_indirect_dma source(%dma_start3A_53 : memref<50000x32xf32, #tpu.memory_space<hbm>>) target(%run_scoped3A_19 : memref<400x32xf32, #tpu.memory_space<vmem>>) offsets(%dma_start3A_50 : memref<400xi32, #tpu.memory_space<vmem>>) semaphore(%arg8 : memref<!tpu.dma_semaphore, #tpu.memory_space<semaphore_mem>>)
      } else {
      }
      %eq3A_40 = arith.constant 1 : i32
      %eq3A_41 = arith.cmpi eq, %arg0, %eq3A_40 : i32
      %convert_element_type3A_42 = arith.extui %eq3A_41 : i1 to i32
      %cond3A_43 = arith.constant 0 : i32
      %cond3A_44 = arith.cmpi ne, %convert_element_type3A_42, %cond3A_43 : i32
      scf.if %cond3A_44 {
        %dma_start3A = arith.constant 800 : i32
        %dma_start3A_50 = tpu.memref_slice %run_scoped3A[%dma_start3A] : memref<1600xi32, #tpu.memory_space<vmem>> -> memref<400xi32, #tpu.memory_space<vmem>>
        %dma_start3A_51 = arith.constant 0 : i32
        %dma_start3A_52 = arith.constant 0 : i32
        %dma_start3A_53 = tpu.memref_slice %arg3[%dma_start3A_51, %dma_start3A_52] : memref<50000x32xf32, #tpu.memory_space<hbm>> -> memref<50000x32xf32, #tpu.memory_space<hbm>>
        tpu.enqueue_indirect_dma source(%dma_start3A_53 : memref<50000x32xf32, #tpu.memory_space<hbm>>) target(%run_scoped3A_19 : memref<400x32xf32, #tpu.memory_space<vmem>>) offsets(%dma_start3A_50 : memref<400xi32, #tpu.memory_space<vmem>>) semaphore(%arg8 : memref<!tpu.dma_semaphore, #tpu.memory_space<semaphore_mem>>)
      } else {
      }
      %scan3A = arith.constant 0 : i32
      %scan3A_45 = arith.constant 0 : i32
      %scan3A_46 = arith.constant 125 : i32
      %scan3A_47 = arith.addi %scan3A_45, %scan3A_46 : i32
      %scan3A_48 = arith.constant 1 : i32
      scf.for %scan3A_50 = %scan3A_45 to %scan3A_47 step %scan3A_48  : i32 {
        %jit3A = arith.constant 2 : i32
        %eq3A_51 = arith.constant 0 : i32
        %eq3A_52 = arith.cmpi eq, %jit3A, %eq3A_51 : i32
        %jit3A_53 = arith.constant 1 : i32
        %select_n3A = arith.select %eq3A_52, %jit3A_53, %jit3A : i32
        %rem3A = arith.remsi %scan3A_50, %select_n3A : i32
        %ne3A = arith.constant 0 : i32
        %ne3A_54 = arith.cmpi ne, %rem3A, %ne3A : i32
        %lt3A_55 = arith.constant 0 : i32
        %lt3A_56 = arith.cmpi slt, %rem3A, %lt3A_55 : i32
        %lt3A_57 = arith.constant 0 : i32
        %lt3A_58 = arith.cmpi slt, %select_n3A, %lt3A_57 : i32
        %ne3A_59 = arith.xori %lt3A_56, %lt3A_58 : i1
        %and3A = arith.andi %ne3A_59, %ne3A_54 : i1
        %add3A = arith.addi %rem3A, %select_n3A : i32
        %select_n3A_60 = arith.select %and3A, %add3A, %rem3A : i32
        %eq3A_61 = arith.constant 0 : i32
        %eq3A_62 = arith.cmpi eq, %select_n3A_60, %eq3A_61 : i32
        %convert_element_type3A_63 = arith.extui %eq3A_62 : i1 to i32
        %cond3A_64 = arith.constant 0 : i32
        %cond3A_65 = arith.cmpi ne, %convert_element_type3A_63, %cond3A_64 : i32
        scf.if %cond3A_65 {
          %dma_wait3A = arith.constant 0 : i32
          %dma_wait3A_87 = tpu.memref_slice %run_scoped3A[%dma_wait3A] : memref<1600xi32, #tpu.memory_space<vmem>> -> memref<400xi32, #tpu.memory_space<vmem>>
          %dma_wait3A_88 = arith.constant 0 : i32
          %dma_wait3A_89 = arith.constant 0 : i32
          %dma_wait3A_90 = tpu.memref_slice %arg2[%dma_wait3A_88, %dma_wait3A_89] : memref<50000x32xf32, #tpu.memory_space<hbm>> -> memref<50000x32xf32, #tpu.memory_space<hbm>>
          tpu.wait_indirect_dma semaphore(%arg7 : memref<!tpu.dma_semaphore, #tpu.memory_space<semaphore_mem>>) src(%dma_wait3A_90 : memref<50000x32xf32, #tpu.memory_space<hbm>>) dst(%run_scoped3A_18 : memref<400x32xf32, #tpu.memory_space<vmem>>)
          %dma_start3A = arith.constant 400 : i32
          %dma_start3A_91 = tpu.memref_slice %run_scoped3A[%dma_start3A] : memref<1600xi32, #tpu.memory_space<vmem>> -> memref<400xi32, #tpu.memory_space<vmem>>
          %dma_start3A_92 = arith.constant 0 : i32
          %dma_start3A_93 = arith.constant 0 : i32
          %dma_start3A_94 = tpu.memref_slice %arg6[%dma_start3A_92, %dma_start3A_93] : memref<50000x32xf32, #tpu.memory_space<vmem_shared>> -> memref<50000x32xf32, #tpu.memory_space<vmem_shared>>
          tpu.enqueue_indirect_dma source(%run_scoped3A_18 : memref<400x32xf32, #tpu.memory_space<vmem>>) target(%dma_start3A_94 : memref<50000x32xf32, #tpu.memory_space<vmem_shared>>) offsets(%dma_start3A_91 : memref<400xi32, #tpu.memory_space<vmem>>) semaphore(%arg9 : memref<!tpu.dma_semaphore, #tpu.memory_space<semaphore_mem>>) {add = true}
          %dma_wait3A_95 = arith.constant 800 : i32
          %dma_wait3A_96 = tpu.memref_slice %run_scoped3A[%dma_wait3A_95] : memref<1600xi32, #tpu.memory_space<vmem>> -> memref<400xi32, #tpu.memory_space<vmem>>
          %dma_wait3A_97 = arith.constant 0 : i32
          %dma_wait3A_98 = arith.constant 0 : i32
          %dma_wait3A_99 = tpu.memref_slice %arg2[%dma_wait3A_97, %dma_wait3A_98] : memref<50000x32xf32, #tpu.memory_space<hbm>> -> memref<50000x32xf32, #tpu.memory_space<hbm>>
          tpu.wait_indirect_dma semaphore(%arg8 : memref<!tpu.dma_semaphore, #tpu.memory_space<semaphore_mem>>) src(%dma_wait3A_99 : memref<50000x32xf32, #tpu.memory_space<hbm>>) dst(%run_scoped3A_19 : memref<400x32xf32, #tpu.memory_space<vmem>>)
          %dma_start3A_100 = arith.constant 1200 : i32
          %dma_start3A_101 = tpu.memref_slice %run_scoped3A[%dma_start3A_100] : memref<1600xi32, #tpu.memory_space<vmem>> -> memref<400xi32, #tpu.memory_space<vmem>>
          %dma_start3A_102 = arith.constant 0 : i32
          %dma_start3A_103 = arith.constant 0 : i32
          %dma_start3A_104 = tpu.memref_slice %arg6[%dma_start3A_102, %dma_start3A_103] : memref<50000x32xf32, #tpu.memory_space<vmem_shared>> -> memref<50000x32xf32, #tpu.memory_space<vmem_shared>>
          tpu.enqueue_indirect_dma source(%run_scoped3A_19 : memref<400x32xf32, #tpu.memory_space<vmem>>) target(%dma_start3A_104 : memref<50000x32xf32, #tpu.memory_space<vmem_shared>>) offsets(%dma_start3A_101 : memref<400xi32, #tpu.memory_space<vmem>>) semaphore(%arg10 : memref<!tpu.dma_semaphore, #tpu.memory_space<semaphore_mem>>) {add = true}
          %lt3A_105 = arith.constant 124 : i32
          %lt3A_106 = arith.cmpi slt, %scan3A_50, %lt3A_105 : i32
          %convert_element_type3A_107 = arith.extui %lt3A_106 : i1 to i32
          %cond3A_108 = arith.constant 0 : i32
          %cond3A_109 = arith.cmpi ne, %convert_element_type3A_107, %cond3A_108 : i32
          scf.if %cond3A_109 {
            %mul3A_115 = arith.constant 2 : i32
            %mul3A_116 = arith.muli %mul3A_115, %scan3A_50 : i32
            %add3A_117 = arith.constant 2 : i32
            %add3A_118 = arith.addi %mul3A_116, %add3A_117 : i32
            %mul3A_119 = arith.constant 2 : i32
            %mul3A_120 = arith.muli %add3A_118, %mul3A_119 : i32
            %mul3A_121 = arith.constant 400 : i32
            %mul3A_122 = arith.muli %mul3A_120, %mul3A_121 : i32
            %add3A_123 = arith.addi %mul3A_24, %mul3A_122 : i32
            "tpu.region"() ({
              %run_scoped3A_154 = tpu.sem_alloc : memref<!tpu.dma_semaphore, #tpu.memory_space<semaphore_mem>>
              %dma_start3A_155 = tpu.memref_slice %arg4[%add3A_123] : memref<3200000xi32, #tpu.memory_space<hbm>> -> memref<1600xi32, #tpu.memory_space<hbm>>
              %dma_start3A_156 = tpu.memref_slice %arg4[%add3A_123] : memref<3200000xi32, #tpu.memory_space<hbm>> -> memref<1600xi32, #tpu.memory_space<hbm>>
              tpu.enqueue_dma source(%dma_start3A_156 : memref<1600xi32, #tpu.memory_space<hbm>>) target(%run_scoped3A_17 : memref<1600xi32, #tpu.memory_space<vmem>>) target_semaphore(%run_scoped3A_154 : memref<!tpu.dma_semaphore, #tpu.memory_space<semaphore_mem>>)
              %dma_wait3A_157 = tpu.memref_slice %arg4[%add3A_123] : memref<3200000xi32, #tpu.memory_space<hbm>> -> memref<1600xi32, #tpu.memory_space<hbm>>
              %dma_wait3A_158 = tpu.memref_slice %arg4[%add3A_123] : memref<3200000xi32, #tpu.memory_space<hbm>> -> memref<1600xi32, #tpu.memory_space<hbm>>
              tpu.wait_dma2 semaphore(%run_scoped3A_154 : memref<!tpu.dma_semaphore, #tpu.memory_space<semaphore_mem>>) src(%dma_wait3A_158 : memref<1600xi32, #tpu.memory_space<hbm>>) dst(%run_scoped3A_17 : memref<1600xi32, #tpu.memory_space<vmem>>)
              tpu.yield
            }) : () -> ()
            %dma_wait3A_124 = arith.constant 400 : i32
            %dma_wait3A_125 = tpu.memref_slice %run_scoped3A[%dma_wait3A_124] : memref<1600xi32, #tpu.memory_space<vmem>> -> memref<400xi32, #tpu.memory_space<vmem>>
            %dma_wait3A_126 = arith.constant 0 : i32
            %dma_wait3A_127 = arith.constant 0 : i32
            %dma_wait3A_128 = tpu.memref_slice %arg6[%dma_wait3A_126, %dma_wait3A_127] : memref<50000x32xf32, #tpu.memory_space<vmem_shared>> -> memref<50000x32xf32, #tpu.memory_space<vmem_shared>>
            tpu.wait_indirect_dma semaphore(%arg9 : memref<!tpu.dma_semaphore, #tpu.memory_space<semaphore_mem>>) src(%run_scoped3A_18 : memref<400x32xf32, #tpu.memory_space<vmem>>) dst(%dma_wait3A_128 : memref<50000x32xf32, #tpu.memory_space<vmem_shared>>)
            %eq3A_129 = arith.constant 0 : i32
            %eq3A_130 = arith.cmpi eq, %arg0, %eq3A_129 : i32
            %convert_element_type3A_131 = arith.extui %eq3A_130 : i1 to i32
            %cond3A_132 = arith.constant 0 : i32
            %cond3A_133 = arith.cmpi ne, %convert_element_type3A_131, %cond3A_132 : i32
            scf.if %cond3A_133 {
              %dma_start3A_154 = arith.constant 0 : i32
              %dma_start3A_155 = tpu.memref_slice %run_scoped3A_17[%dma_start3A_154] : memref<1600xi32, #tpu.memory_space<vmem>> -> memref<400xi32, #tpu.memory_space<vmem>>
              %dma_start3A_156 = arith.constant 0 : i32
              %dma_start3A_157 = arith.constant 0 : i32
              %dma_start3A_158 = tpu.memref_slice %arg2[%dma_start3A_156, %dma_start3A_157] : memref<50000x32xf32, #tpu.memory_space<hbm>> -> memref<50000x32xf32, #tpu.memory_space<hbm>>
              tpu.enqueue_indirect_dma source(%dma_start3A_158 : memref<50000x32xf32, #tpu.memory_space<hbm>>) target(%run_scoped3A_18 : memref<400x32xf32, #tpu.memory_space<vmem>>) offsets(%dma_start3A_155 : memref<400xi32, #tpu.memory_space<vmem>>) semaphore(%arg7 : memref<!tpu.dma_semaphore, #tpu.memory_space<semaphore_mem>>)
            } else {
            }
            %eq3A_134 = arith.constant 1 : i32
            %eq3A_135 = arith.cmpi eq, %arg0, %eq3A_134 : i32
            %convert_element_type3A_136 = arith.extui %eq3A_135 : i1 to i32
            %cond3A_137 = arith.constant 0 : i32
            %cond3A_138 = arith.cmpi ne, %convert_element_type3A_136, %cond3A_137 : i32
            scf.if %cond3A_138 {
              %dma_start3A_154 = arith.constant 0 : i32
              %dma_start3A_155 = tpu.memref_slice %run_scoped3A_17[%dma_start3A_154] : memref<1600xi32, #tpu.memory_space<vmem>> -> memref<400xi32, #tpu.memory_space<vmem>>
              %dma_start3A_156 = arith.constant 0 : i32
              %dma_start3A_157 = arith.constant 0 : i32
              %dma_start3A_158 = tpu.memref_slice %arg3[%dma_start3A_156, %dma_start3A_157] : memref<50000x32xf32, #tpu.memory_space<hbm>> -> memref<50000x32xf32, #tpu.memory_space<hbm>>
              tpu.enqueue_indirect_dma source(%dma_start3A_158 : memref<50000x32xf32, #tpu.memory_space<hbm>>) target(%run_scoped3A_18 : memref<400x32xf32, #tpu.memory_space<vmem>>) offsets(%dma_start3A_155 : memref<400xi32, #tpu.memory_space<vmem>>) semaphore(%arg7 : memref<!tpu.dma_semaphore, #tpu.memory_space<semaphore_mem>>)
            } else {
            }
            %dma_wait3A_139 = arith.constant 1200 : i32
            %dma_wait3A_140 = tpu.memref_slice %run_scoped3A[%dma_wait3A_139] : memref<1600xi32, #tpu.memory_space<vmem>> -> memref<400xi32, #tpu.memory_space<vmem>>
            %dma_wait3A_141 = arith.constant 0 : i32
            %dma_wait3A_142 = arith.constant 0 : i32
            %dma_wait3A_143 = tpu.memref_slice %arg6[%dma_wait3A_141, %dma_wait3A_142] : memref<50000x32xf32, #tpu.memory_space<vmem_shared>> -> memref<50000x32xf32, #tpu.memory_space<vmem_shared>>
            tpu.wait_indirect_dma semaphore(%arg10 : memref<!tpu.dma_semaphore, #tpu.memory_space<semaphore_mem>>) src(%run_scoped3A_19 : memref<400x32xf32, #tpu.memory_space<vmem>>) dst(%dma_wait3A_143 : memref<50000x32xf32, #tpu.memory_space<vmem_shared>>)
            %eq3A_144 = arith.constant 0 : i32
            %eq3A_145 = arith.cmpi eq, %arg0, %eq3A_144 : i32
            %convert_element_type3A_146 = arith.extui %eq3A_145 : i1 to i32
            %cond3A_147 = arith.constant 0 : i32
            %cond3A_148 = arith.cmpi ne, %convert_element_type3A_146, %cond3A_147 : i32
            scf.if %cond3A_148 {
              %dma_start3A_154 = arith.constant 800 : i32
              %dma_start3A_155 = tpu.memref_slice %run_scoped3A_17[%dma_start3A_154] : memref<1600xi32, #tpu.memory_space<vmem>> -> memref<400xi32, #tpu.memory_space<vmem>>
              %dma_start3A_156 = arith.constant 0 : i32
              %dma_start3A_157 = arith.constant 0 : i32
              %dma_start3A_158 = tpu.memref_slice %arg2[%dma_start3A_156, %dma_start3A_157] : memref<50000x32xf32, #tpu.memory_space<hbm>> -> memref<50000x32xf32, #tpu.memory_space<hbm>>
              tpu.enqueue_indirect_dma source(%dma_start3A_158 : memref<50000x32xf32, #tpu.memory_space<hbm>>) target(%run_scoped3A_19 : memref<400x32xf32, #tpu.memory_space<vmem>>) offsets(%dma_start3A_155 : memref<400xi32, #tpu.memory_space<vmem>>) semaphore(%arg8 : memref<!tpu.dma_semaphore, #tpu.memory_space<semaphore_mem>>)
            } else {
            }
            %eq3A_149 = arith.constant 1 : i32
            %eq3A_150 = arith.cmpi eq, %arg0, %eq3A_149 : i32
            %convert_element_type3A_151 = arith.extui %eq3A_150 : i1 to i32
            %cond3A_152 = arith.constant 0 : i32
            %cond3A_153 = arith.cmpi ne, %convert_element_type3A_151, %cond3A_152 : i32
            scf.if %cond3A_153 {
              %dma_start3A_154 = arith.constant 800 : i32
              %dma_start3A_155 = tpu.memref_slice %run_scoped3A_17[%dma_start3A_154] : memref<1600xi32, #tpu.memory_space<vmem>> -> memref<400xi32, #tpu.memory_space<vmem>>
              %dma_start3A_156 = arith.constant 0 : i32
              %dma_start3A_157 = arith.constant 0 : i32
              %dma_start3A_158 = tpu.memref_slice %arg3[%dma_start3A_156, %dma_start3A_157] : memref<50000x32xf32, #tpu.memory_space<hbm>> -> memref<50000x32xf32, #tpu.memory_space<hbm>>
              tpu.enqueue_indirect_dma source(%dma_start3A_158 : memref<50000x32xf32, #tpu.memory_space<hbm>>) target(%run_scoped3A_19 : memref<400x32xf32, #tpu.memory_space<vmem>>) offsets(%dma_start3A_155 : memref<400xi32, #tpu.memory_space<vmem>>) semaphore(%arg8 : memref<!tpu.dma_semaphore, #tpu.memory_space<semaphore_mem>>)
            } else {
            }
          } else {
          }
          %eq3A_110 = arith.constant 124 : i32
          %eq3A_111 = arith.cmpi eq, %scan3A_50, %eq3A_110 : i32
          %convert_element_type3A_112 = arith.extui %eq3A_111 : i1 to i32
          %cond3A_113 = arith.constant 0 : i32
          %cond3A_114 = arith.cmpi ne, %convert_element_type3A_112, %cond3A_113 : i32
          scf.if %cond3A_114 {
            %dma_wait3A_115 = arith.constant 400 : i32
            %dma_wait3A_116 = tpu.memref_slice %run_scoped3A[%dma_wait3A_115] : memref<1600xi32, #tpu.memory_space<vmem>> -> memref<400xi32, #tpu.memory_space<vmem>>
            %dma_wait3A_117 = arith.constant 0 : i32
            %dma_wait3A_118 = arith.constant 0 : i32
            %dma_wait3A_119 = tpu.memref_slice %arg6[%dma_wait3A_117, %dma_wait3A_118] : memref<50000x32xf32, #tpu.memory_space<vmem_shared>> -> memref<50000x32xf32, #tpu.memory_space<vmem_shared>>
            tpu.wait_indirect_dma semaphore(%arg9 : memref<!tpu.dma_semaphore, #tpu.memory_space<semaphore_mem>>) src(%run_scoped3A_18 : memref<400x32xf32, #tpu.memory_space<vmem>>) dst(%dma_wait3A_119 : memref<50000x32xf32, #tpu.memory_space<vmem_shared>>)
            %dma_wait3A_120 = arith.constant 1200 : i32
            %dma_wait3A_121 = tpu.memref_slice %run_scoped3A[%dma_wait3A_120] : memref<1600xi32, #tpu.memory_space<vmem>> -> memref<400xi32, #tpu.memory_space<vmem>>
            %dma_wait3A_122 = arith.constant 0 : i32
            %dma_wait3A_123 = arith.constant 0 : i32
            %dma_wait3A_124 = tpu.memref_slice %arg6[%dma_wait3A_122, %dma_wait3A_123] : memref<50000x32xf32, #tpu.memory_space<vmem_shared>> -> memref<50000x32xf32, #tpu.memory_space<vmem_shared>>
            tpu.wait_indirect_dma semaphore(%arg10 : memref<!tpu.dma_semaphore, #tpu.memory_space<semaphore_mem>>) src(%run_scoped3A_19 : memref<400x32xf32, #tpu.memory_space<vmem>>) dst(%dma_wait3A_124 : memref<50000x32xf32, #tpu.memory_space<vmem_shared>>)
          } else {
          }
        } else {
        }
        %jit3A_66 = arith.constant 2 : i32
        %eq3A_67 = arith.constant 0 : i32
        %eq3A_68 = arith.cmpi eq, %jit3A_66, %eq3A_67 : i32
        %jit3A_69 = arith.constant 1 : i32
        %select_n3A_70 = arith.select %eq3A_68, %jit3A_69, %jit3A_66 : i32
        %rem3A_71 = arith.remsi %scan3A_50, %select_n3A_70 : i32
        %ne3A_72 = arith.constant 0 : i32
        %ne3A_73 = arith.cmpi ne, %rem3A_71, %ne3A_72 : i32
        %lt3A_74 = arith.constant 0 : i32
        %lt3A_75 = arith.cmpi slt, %rem3A_71, %lt3A_74 : i32
        %lt3A_76 = arith.constant 0 : i32
        %lt3A_77 = arith.cmpi slt, %select_n3A_70, %lt3A_76 : i32
        %ne3A_78 = arith.xori %lt3A_75, %lt3A_77 : i1
        %and3A_79 = arith.andi %ne3A_78, %ne3A_73 : i1
        %add3A_80 = arith.addi %rem3A_71, %select_n3A_70 : i32
        %select_n3A_81 = arith.select %and3A_79, %add3A_80, %rem3A_71 : i32
        %eq3A_82 = arith.constant 1 : i32
        %eq3A_83 = arith.cmpi eq, %select_n3A_81, %eq3A_82 : i32
        %convert_element_type3A_84 = arith.extui %eq3A_83 : i1 to i32
        %cond3A_85 = arith.constant 0 : i32
        %cond3A_86 = arith.cmpi ne, %convert_element_type3A_84, %cond3A_85 : i32
        scf.if %cond3A_86 {
          %dma_wait3A = arith.constant 0 : i32
          %dma_wait3A_87 = tpu.memref_slice %run_scoped3A_17[%dma_wait3A] : memref<1600xi32, #tpu.memory_space<vmem>> -> memref<400xi32, #tpu.memory_space<vmem>>
          %dma_wait3A_88 = arith.constant 0 : i32
          %dma_wait3A_89 = arith.constant 0 : i32
          %dma_wait3A_90 = tpu.memref_slice %arg2[%dma_wait3A_88, %dma_wait3A_89] : memref<50000x32xf32, #tpu.memory_space<hbm>> -> memref<50000x32xf32, #tpu.memory_space<hbm>>
          tpu.wait_indirect_dma semaphore(%arg7 : memref<!tpu.dma_semaphore, #tpu.memory_space<semaphore_mem>>) src(%dma_wait3A_90 : memref<50000x32xf32, #tpu.memory_space<hbm>>) dst(%run_scoped3A_18 : memref<400x32xf32, #tpu.memory_space<vmem>>)
          %dma_start3A = arith.constant 400 : i32
          %dma_start3A_91 = tpu.memref_slice %run_scoped3A_17[%dma_start3A] : memref<1600xi32, #tpu.memory_space<vmem>> -> memref<400xi32, #tpu.memory_space<vmem>>
          %dma_start3A_92 = arith.constant 0 : i32
          %dma_start3A_93 = arith.constant 0 : i32
          %dma_start3A_94 = tpu.memref_slice %arg6[%dma_start3A_92, %dma_start3A_93] : memref<50000x32xf32, #tpu.memory_space<vmem_shared>> -> memref<50000x32xf32, #tpu.memory_space<vmem_shared>>
          tpu.enqueue_indirect_dma source(%run_scoped3A_18 : memref<400x32xf32, #tpu.memory_space<vmem>>) target(%dma_start3A_94 : memref<50000x32xf32, #tpu.memory_space<vmem_shared>>) offsets(%dma_start3A_91 : memref<400xi32, #tpu.memory_space<vmem>>) semaphore(%arg9 : memref<!tpu.dma_semaphore, #tpu.memory_space<semaphore_mem>>) {add = true}
          %dma_wait3A_95 = arith.constant 800 : i32
          %dma_wait3A_96 = tpu.memref_slice %run_scoped3A_17[%dma_wait3A_95] : memref<1600xi32, #tpu.memory_space<vmem>> -> memref<400xi32, #tpu.memory_space<vmem>>
          %dma_wait3A_97 = arith.constant 0 : i32
          %dma_wait3A_98 = arith.constant 0 : i32
          %dma_wait3A_99 = tpu.memref_slice %arg2[%dma_wait3A_97, %dma_wait3A_98] : memref<50000x32xf32, #tpu.memory_space<hbm>> -> memref<50000x32xf32, #tpu.memory_space<hbm>>
          tpu.wait_indirect_dma semaphore(%arg8 : memref<!tpu.dma_semaphore, #tpu.memory_space<semaphore_mem>>) src(%dma_wait3A_99 : memref<50000x32xf32, #tpu.memory_space<hbm>>) dst(%run_scoped3A_19 : memref<400x32xf32, #tpu.memory_space<vmem>>)
          %dma_start3A_100 = arith.constant 1200 : i32
          %dma_start3A_101 = tpu.memref_slice %run_scoped3A_17[%dma_start3A_100] : memref<1600xi32, #tpu.memory_space<vmem>> -> memref<400xi32, #tpu.memory_space<vmem>>
          %dma_start3A_102 = arith.constant 0 : i32
          %dma_start3A_103 = arith.constant 0 : i32
          %dma_start3A_104 = tpu.memref_slice %arg6[%dma_start3A_102, %dma_start3A_103] : memref<50000x32xf32, #tpu.memory_space<vmem_shared>> -> memref<50000x32xf32, #tpu.memory_space<vmem_shared>>
          tpu.enqueue_indirect_dma source(%run_scoped3A_19 : memref<400x32xf32, #tpu.memory_space<vmem>>) target(%dma_start3A_104 : memref<50000x32xf32, #tpu.memory_space<vmem_shared>>) offsets(%dma_start3A_101 : memref<400xi32, #tpu.memory_space<vmem>>) semaphore(%arg10 : memref<!tpu.dma_semaphore, #tpu.memory_space<semaphore_mem>>) {add = true}
          %lt3A_105 = arith.constant 124 : i32
          %lt3A_106 = arith.cmpi slt, %scan3A_50, %lt3A_105 : i32
          %convert_element_type3A_107 = arith.extui %lt3A_106 : i1 to i32
          %cond3A_108 = arith.constant 0 : i32
          %cond3A_109 = arith.cmpi ne, %convert_element_type3A_107, %cond3A_108 : i32
          scf.if %cond3A_109 {
            %mul3A_115 = arith.constant 2 : i32
            %mul3A_116 = arith.muli %mul3A_115, %scan3A_50 : i32
            %add3A_117 = arith.constant 2 : i32
            %add3A_118 = arith.addi %mul3A_116, %add3A_117 : i32
            %mul3A_119 = arith.constant 2 : i32
            %mul3A_120 = arith.muli %add3A_118, %mul3A_119 : i32
            %mul3A_121 = arith.constant 400 : i32
            %mul3A_122 = arith.muli %mul3A_120, %mul3A_121 : i32
            %add3A_123 = arith.addi %mul3A_24, %mul3A_122 : i32
            "tpu.region"() ({
              %run_scoped3A_154 = tpu.sem_alloc : memref<!tpu.dma_semaphore, #tpu.memory_space<semaphore_mem>>
              %dma_start3A_155 = tpu.memref_slice %arg4[%add3A_123] : memref<3200000xi32, #tpu.memory_space<hbm>> -> memref<1600xi32, #tpu.memory_space<hbm>>
              %dma_start3A_156 = tpu.memref_slice %arg4[%add3A_123] : memref<3200000xi32, #tpu.memory_space<hbm>> -> memref<1600xi32, #tpu.memory_space<hbm>>
              tpu.enqueue_dma source(%dma_start3A_156 : memref<1600xi32, #tpu.memory_space<hbm>>) target(%run_scoped3A : memref<1600xi32, #tpu.memory_space<vmem>>) target_semaphore(%run_scoped3A_154 : memref<!tpu.dma_semaphore, #tpu.memory_space<semaphore_mem>>)
              %dma_wait3A_157 = tpu.memref_slice %arg4[%add3A_123] : memref<3200000xi32, #tpu.memory_space<hbm>> -> memref<1600xi32, #tpu.memory_space<hbm>>
              %dma_wait3A_158 = tpu.memref_slice %arg4[%add3A_123] : memref<3200000xi32, #tpu.memory_space<hbm>> -> memref<1600xi32, #tpu.memory_space<hbm>>
              tpu.wait_dma2 semaphore(%run_scoped3A_154 : memref<!tpu.dma_semaphore, #tpu.memory_space<semaphore_mem>>) src(%dma_wait3A_158 : memref<1600xi32, #tpu.memory_space<hbm>>) dst(%run_scoped3A : memref<1600xi32, #tpu.memory_space<vmem>>)
              tpu.yield
            }) : () -> ()
            %dma_wait3A_124 = arith.constant 400 : i32
            %dma_wait3A_125 = tpu.memref_slice %run_scoped3A_17[%dma_wait3A_124] : memref<1600xi32, #tpu.memory_space<vmem>> -> memref<400xi32, #tpu.memory_space<vmem>>
            %dma_wait3A_126 = arith.constant 0 : i32
            %dma_wait3A_127 = arith.constant 0 : i32
            %dma_wait3A_128 = tpu.memref_slice %arg6[%dma_wait3A_126, %dma_wait3A_127] : memref<50000x32xf32, #tpu.memory_space<vmem_shared>> -> memref<50000x32xf32, #tpu.memory_space<vmem_shared>>
            tpu.wait_indirect_dma semaphore(%arg9 : memref<!tpu.dma_semaphore, #tpu.memory_space<semaphore_mem>>) src(%run_scoped3A_18 : memref<400x32xf32, #tpu.memory_space<vmem>>) dst(%dma_wait3A_128 : memref<50000x32xf32, #tpu.memory_space<vmem_shared>>)
            %eq3A_129 = arith.constant 0 : i32
            %eq3A_130 = arith.cmpi eq, %arg0, %eq3A_129 : i32
            %convert_element_type3A_131 = arith.extui %eq3A_130 : i1 to i32
            %cond3A_132 = arith.constant 0 : i32
            %cond3A_133 = arith.cmpi ne, %convert_element_type3A_131, %cond3A_132 : i32
            scf.if %cond3A_133 {
              %dma_start3A_154 = arith.constant 0 : i32
              %dma_start3A_155 = tpu.memref_slice %run_scoped3A[%dma_start3A_154] : memref<1600xi32, #tpu.memory_space<vmem>> -> memref<400xi32, #tpu.memory_space<vmem>>
              %dma_start3A_156 = arith.constant 0 : i32
              %dma_start3A_157 = arith.constant 0 : i32
              %dma_start3A_158 = tpu.memref_slice %arg2[%dma_start3A_156, %dma_start3A_157] : memref<50000x32xf32, #tpu.memory_space<hbm>> -> memref<50000x32xf32, #tpu.memory_space<hbm>>
              tpu.enqueue_indirect_dma source(%dma_start3A_158 : memref<50000x32xf32, #tpu.memory_space<hbm>>) target(%run_scoped3A_18 : memref<400x32xf32, #tpu.memory_space<vmem>>) offsets(%dma_start3A_155 : memref<400xi32, #tpu.memory_space<vmem>>) semaphore(%arg7 : memref<!tpu.dma_semaphore, #tpu.memory_space<semaphore_mem>>)
            } else {
            }
            %eq3A_134 = arith.constant 1 : i32
            %eq3A_135 = arith.cmpi eq, %arg0, %eq3A_134 : i32
            %convert_element_type3A_136 = arith.extui %eq3A_135 : i1 to i32
            %cond3A_137 = arith.constant 0 : i32
            %cond3A_138 = arith.cmpi ne, %convert_element_type3A_136, %cond3A_137 : i32
            scf.if %cond3A_138 {
              %dma_start3A_154 = arith.constant 0 : i32
              %dma_start3A_155 = tpu.memref_slice %run_scoped3A[%dma_start3A_154] : memref<1600xi32, #tpu.memory_space<vmem>> -> memref<400xi32, #tpu.memory_space<vmem>>
              %dma_start3A_156 = arith.constant 0 : i32
              %dma_start3A_157 = arith.constant 0 : i32
              %dma_start3A_158 = tpu.memref_slice %arg3[%dma_start3A_156, %dma_start3A_157] : memref<50000x32xf32, #tpu.memory_space<hbm>> -> memref<50000x32xf32, #tpu.memory_space<hbm>>
              tpu.enqueue_indirect_dma source(%dma_start3A_158 : memref<50000x32xf32, #tpu.memory_space<hbm>>) target(%run_scoped3A_18 : memref<400x32xf32, #tpu.memory_space<vmem>>) offsets(%dma_start3A_155 : memref<400xi32, #tpu.memory_space<vmem>>) semaphore(%arg7 : memref<!tpu.dma_semaphore, #tpu.memory_space<semaphore_mem>>)
            } else {
            }
            %dma_wait3A_139 = arith.constant 1200 : i32
            %dma_wait3A_140 = tpu.memref_slice %run_scoped3A_17[%dma_wait3A_139] : memref<1600xi32, #tpu.memory_space<vmem>> -> memref<400xi32, #tpu.memory_space<vmem>>
            %dma_wait3A_141 = arith.constant 0 : i32
            %dma_wait3A_142 = arith.constant 0 : i32
            %dma_wait3A_143 = tpu.memref_slice %arg6[%dma_wait3A_141, %dma_wait3A_142] : memref<50000x32xf32, #tpu.memory_space<vmem_shared>> -> memref<50000x32xf32, #tpu.memory_space<vmem_shared>>
            tpu.wait_indirect_dma semaphore(%arg10 : memref<!tpu.dma_semaphore, #tpu.memory_space<semaphore_mem>>) src(%run_scoped3A_19 : memref<400x32xf32, #tpu.memory_space<vmem>>) dst(%dma_wait3A_143 : memref<50000x32xf32, #tpu.memory_space<vmem_shared>>)
            %eq3A_144 = arith.constant 0 : i32
            %eq3A_145 = arith.cmpi eq, %arg0, %eq3A_144 : i32
            %convert_element_type3A_146 = arith.extui %eq3A_145 : i1 to i32
            %cond3A_147 = arith.constant 0 : i32
            %cond3A_148 = arith.cmpi ne, %convert_element_type3A_146, %cond3A_147 : i32
            scf.if %cond3A_148 {
              %dma_start3A_154 = arith.constant 800 : i32
              %dma_start3A_155 = tpu.memref_slice %run_scoped3A[%dma_start3A_154] : memref<1600xi32, #tpu.memory_space<vmem>> -> memref<400xi32, #tpu.memory_space<vmem>>
              %dma_start3A_156 = arith.constant 0 : i32
              %dma_start3A_157 = arith.constant 0 : i32
              %dma_start3A_158 = tpu.memref_slice %arg2[%dma_start3A_156, %dma_start3A_157] : memref<50000x32xf32, #tpu.memory_space<hbm>> -> memref<50000x32xf32, #tpu.memory_space<hbm>>
              tpu.enqueue_indirect_dma source(%dma_start3A_158 : memref<50000x32xf32, #tpu.memory_space<hbm>>) target(%run_scoped3A_19 : memref<400x32xf32, #tpu.memory_space<vmem>>) offsets(%dma_start3A_155 : memref<400xi32, #tpu.memory_space<vmem>>) semaphore(%arg8 : memref<!tpu.dma_semaphore, #tpu.memory_space<semaphore_mem>>)
            } else {
            }
            %eq3A_149 = arith.constant 1 : i32
            %eq3A_150 = arith.cmpi eq, %arg0, %eq3A_149 : i32
            %convert_element_type3A_151 = arith.extui %eq3A_150 : i1 to i32
            %cond3A_152 = arith.constant 0 : i32
            %cond3A_153 = arith.cmpi ne, %convert_element_type3A_151, %cond3A_152 : i32
            scf.if %cond3A_153 {
              %dma_start3A_154 = arith.constant 800 : i32
              %dma_start3A_155 = tpu.memref_slice %run_scoped3A[%dma_start3A_154] : memref<1600xi32, #tpu.memory_space<vmem>> -> memref<400xi32, #tpu.memory_space<vmem>>
              %dma_start3A_156 = arith.constant 0 : i32
              %dma_start3A_157 = arith.constant 0 : i32
              %dma_start3A_158 = tpu.memref_slice %arg3[%dma_start3A_156, %dma_start3A_157] : memref<50000x32xf32, #tpu.memory_space<hbm>> -> memref<50000x32xf32, #tpu.memory_space<hbm>>
              tpu.enqueue_indirect_dma source(%dma_start3A_158 : memref<50000x32xf32, #tpu.memory_space<hbm>>) target(%run_scoped3A_19 : memref<400x32xf32, #tpu.memory_space<vmem>>) offsets(%dma_start3A_155 : memref<400xi32, #tpu.memory_space<vmem>>) semaphore(%arg8 : memref<!tpu.dma_semaphore, #tpu.memory_space<semaphore_mem>>)
            } else {
            }
          } else {
          }
          %eq3A_110 = arith.constant 124 : i32
          %eq3A_111 = arith.cmpi eq, %scan3A_50, %eq3A_110 : i32
          %convert_element_type3A_112 = arith.extui %eq3A_111 : i1 to i32
          %cond3A_113 = arith.constant 0 : i32
          %cond3A_114 = arith.cmpi ne, %convert_element_type3A_112, %cond3A_113 : i32
          scf.if %cond3A_114 {
            %dma_wait3A_115 = arith.constant 400 : i32
            %dma_wait3A_116 = tpu.memref_slice %run_scoped3A_17[%dma_wait3A_115] : memref<1600xi32, #tpu.memory_space<vmem>> -> memref<400xi32, #tpu.memory_space<vmem>>
            %dma_wait3A_117 = arith.constant 0 : i32
            %dma_wait3A_118 = arith.constant 0 : i32
            %dma_wait3A_119 = tpu.memref_slice %arg6[%dma_wait3A_117, %dma_wait3A_118] : memref<50000x32xf32, #tpu.memory_space<vmem_shared>> -> memref<50000x32xf32, #tpu.memory_space<vmem_shared>>
            tpu.wait_indirect_dma semaphore(%arg9 : memref<!tpu.dma_semaphore, #tpu.memory_space<semaphore_mem>>) src(%run_scoped3A_18 : memref<400x32xf32, #tpu.memory_space<vmem>>) dst(%dma_wait3A_119 : memref<50000x32xf32, #tpu.memory_space<vmem_shared>>)
            %dma_wait3A_120 = arith.constant 1200 : i32
            %dma_wait3A_121 = tpu.memref_slice %run_scoped3A_17[%dma_wait3A_120] : memref<1600xi32, #tpu.memory_space<vmem>> -> memref<400xi32, #tpu.memory_space<vmem>>
            %dma_wait3A_122 = arith.constant 0 : i32
            %dma_wait3A_123 = arith.constant 0 : i32
            %dma_wait3A_124 = tpu.memref_slice %arg6[%dma_wait3A_122, %dma_wait3A_123] : memref<50000x32xf32, #tpu.memory_space<vmem_shared>> -> memref<50000x32xf32, #tpu.memory_space<vmem_shared>>
            tpu.wait_indirect_dma semaphore(%arg10 : memref<!tpu.dma_semaphore, #tpu.memory_space<semaphore_mem>>) src(%run_scoped3A_19 : memref<400x32xf32, #tpu.memory_space<vmem>>) dst(%dma_wait3A_124 : memref<50000x32xf32, #tpu.memory_space<vmem_shared>>)
          } else {
          }
        } else {
        }
      }
      %scan3A_49 = arith.constant 125 : i32
      tpu.yield
    }) : () -> ()
    %barrier3A_7 = arith.constant 0 : index
    tpu.barrier barrier_id(%barrier3A_7)
    %lt3A = arith.constant 15 : i32
    %lt3A_8 = arith.cmpi slt, %arg1, %lt3A : i32
    %convert_element_type3A_9 = arith.extui %lt3A_8 : i1 to i32
    %cond3A_10 = arith.constant 0 : i32
    %cond3A_11 = arith.cmpi ne, %convert_element_type3A_9, %cond3A_10 : i32
    scf.if %cond3A_11 {
      %mul3A = arith.constant 3128 : i32
      %mul3A_17 = arith.muli %arg1, %mul3A : i32
      %mul3A_18 = arith.constant 3128 : i32
      %mul3A_19 = arith.muli %arg1, %mul3A_18 : i32
      %mul3A_20 = arith.constant 32 : i32
      %mul3A_21 = arith.muli %arg0, %mul3A_20 : i32
      "tpu.region"() ({
        %run_scoped3A = tpu.sem_alloc : memref<!tpu.dma_semaphore, #tpu.memory_space<semaphore_mem>>
        %dma_start3A = tpu.memref_slice %arg5[%mul3A_19, %mul3A_21] : memref<50000x128xf32, #tpu.memory_space<hbm>> -> memref<3128x32xf32, #tpu.memory_space<hbm>>
        %dma_start3A_22 = arith.constant 0 : i32
        %dma_start3A_23 = tpu.memref_slice %arg6[%mul3A_17, %dma_start3A_22] : memref<50000x32xf32, #tpu.memory_space<vmem_shared>> -> memref<3128x32xf32, #tpu.memory_space<vmem_shared>>
        tpu.enqueue_dma source(%dma_start3A_23 : memref<3128x32xf32, #tpu.memory_space<vmem_shared>>) target(%dma_start3A : memref<3128x32xf32, #tpu.memory_space<hbm>>) target_semaphore(%run_scoped3A : memref<!tpu.dma_semaphore, #tpu.memory_space<semaphore_mem>>)
        %dma_wait3A = tpu.memref_slice %arg5[%mul3A_19, %mul3A_21] : memref<50000x128xf32, #tpu.memory_space<hbm>> -> memref<3128x32xf32, #tpu.memory_space<hbm>>
        %dma_wait3A_24 = arith.constant 0 : i32
        %dma_wait3A_25 = tpu.memref_slice %arg6[%mul3A_17, %dma_wait3A_24] : memref<50000x32xf32, #tpu.memory_space<vmem_shared>> -> memref<3128x32xf32, #tpu.memory_space<vmem_shared>>
        tpu.wait_dma2 semaphore(%run_scoped3A : memref<!tpu.dma_semaphore, #tpu.memory_space<semaphore_mem>>) src(%dma_wait3A_25 : memref<3128x32xf32, #tpu.memory_space<vmem_shared>>) dst(%dma_wait3A : memref<3128x32xf32, #tpu.memory_space<hbm>>)
        tpu.yield
      }) : () -> ()
    } else {
    }
    %eq3A_12 = arith.constant 15 : i32
    %eq3A_13 = arith.cmpi eq, %arg1, %eq3A_12 : i32
    %convert_element_type3A_14 = arith.extui %eq3A_13 : i1 to i32
    %cond3A_15 = arith.constant 0 : i32
    %cond3A_16 = arith.cmpi ne, %convert_element_type3A_14, %cond3A_15 : i32
    scf.if %cond3A_16 {
      %mul3A = arith.constant 32 : i32
      %mul3A_17 = arith.muli %arg0, %mul3A : i32
      "tpu.region"() ({
        %run_scoped3A = tpu.sem_alloc : memref<!tpu.dma_semaphore, #tpu.memory_space<semaphore_mem>>
        %dma_start3A = arith.constant 46920 : i32
        %dma_start3A_18 = tpu.memref_slice %arg5[%dma_start3A, %mul3A_17] : memref<50000x128xf32, #tpu.memory_space<hbm>> -> memref<3080x32xf32, #tpu.memory_space<hbm>>
        %dma_start3A_19 = arith.constant 46920 : i32
        %dma_start3A_20 = arith.constant 0 : i32
        %dma_start3A_21 = tpu.memref_slice %arg6[%dma_start3A_19, %dma_start3A_20] : memref<50000x32xf32, #tpu.memory_space<vmem_shared>> -> memref<3080x32xf32, #tpu.memory_space<vmem_shared>>
        tpu.enqueue_dma source(%dma_start3A_21 : memref<3080x32xf32, #tpu.memory_space<vmem_shared>>) target(%dma_start3A_18 : memref<3080x32xf32, #tpu.memory_space<hbm>>) target_semaphore(%run_scoped3A : memref<!tpu.dma_semaphore, #tpu.memory_space<semaphore_mem>>)
        %dma_wait3A = arith.constant 46920 : i32
        %dma_wait3A_22 = tpu.memref_slice %arg5[%dma_wait3A, %mul3A_17] : memref<50000x128xf32, #tpu.memory_space<hbm>> -> memref<3080x32xf32, #tpu.memory_space<hbm>>
        %dma_wait3A_23 = arith.constant 46920 : i32
        %dma_wait3A_24 = arith.constant 0 : i32
        %dma_wait3A_25 = tpu.memref_slice %arg6[%dma_wait3A_23, %dma_wait3A_24] : memref<50000x32xf32, #tpu.memory_space<vmem_shared>> -> memref<3080x32xf32, #tpu.memory_space<vmem_shared>>
        tpu.wait_dma2 semaphore(%run_scoped3A : memref<!tpu.dma_semaphore, #tpu.memory_space<semaphore_mem>>) src(%dma_wait3A_25 : memref<3080x32xf32, #tpu.memory_space<vmem_shared>>) dst(%dma_wait3A_22 : memref<3080x32xf32, #tpu.memory_space<hbm>>)
        tpu.yield
      }) : () -> ()
    } else {
    }
    return
  }
}

module attributes {stable_mosaic.version = 14 : i64} {
  func.func @_tc_hp_body(%arg0: i32, %arg1: memref<2000x128xf32, #tpu.memory_space<vmem>>, %arg2: memref<1x2000x16xf32, #tpu.memory_space<vmem>>, %arg3: memref<1x2000x16xf32, #tpu.memory_space<vmem>>, %arg4: memref<64x64xf32, #tpu.memory_space<vmem>>, %arg5: memref<64x128xf32, #tpu.memory_space<vmem>>, %arg6: memref<1x64xf32, #tpu.memory_space<vmem>>, %arg7: memref<2000x32xf32, #tpu.memory_space<vmem>>, %arg8: memref<2000x32xf32, #tpu.memory_space<vmem>>) attributes {dimension_semantics = [#tpu.dimension_semantics<arbitrary>], iteration_bounds = array<i64: 25>, scalar_prefetch = 0 : i64, scratch_operands = 0 : i64, tpu.core_type = #tpu.core_type<tc>, window_params = [{transform_indices = @transform_0, window_bounds = array<i64: 2000, 128>}, {transform_indices = @transform_1, window_bounds = array<i64: 1, 2000, 16>}, {transform_indices = @transform_2, window_bounds = array<i64: 1, 2000, 16>}, {pipeline_mode = #tpu.pipeline_mode<synchronous>, transform_indices = @transform_3, window_bounds = array<i64: 64, 64>}, {pipeline_mode = #tpu.pipeline_mode<synchronous>, transform_indices = @transform_4, window_bounds = array<i64: 64, 128>}, {pipeline_mode = #tpu.pipeline_mode<synchronous>, transform_indices = @transform_5, window_bounds = array<i64: 1, 64>}, {transform_indices = @transform_6, window_bounds = array<i64: 2000, 32>}, {transform_indices = @transform_7, window_bounds = array<i64: 2000, 32>}]} {
    %get3A = arith.constant 0 : index
    %get3A_0 = arith.constant 0 : index
    %get3A_1 = vector.load %arg4[%get3A, %get3A_0] : memref<64x64xf32, #tpu.memory_space<vmem>>, vector<64x64xf32>
    %get3A_2 = arith.constant 0 : index
    %get3A_3 = arith.constant 0 : index
    %get3A_4 = vector.load %arg5[%get3A_2, %get3A_3] : memref<64x128xf32, #tpu.memory_space<vmem>>, vector<64x128xf32>
    %dot_general3A = arith.constant dense<0.000000e+00> : vector<64x128xf32>
    %dot_general3A_5 = tpu.matmul %get3A_1, %get3A_4, %dot_general3A {dimension_numbers = #tpu.dot_dimension_numbers<[1], [0], [0], [1], [0, 0, 1, 1], [], []>, transpose_lhs_hint = false} : vector<64x64xf32>, vector<64x128xf32>, vector<64x128xf32> -> vector<64x128xf32>
    %get3A_6 = arith.constant 0 : index
    %get3A_7 = arith.constant 0 : index
    %get3A_8 = vector.load %arg6[%get3A_6, %get3A_7] : memref<1x64xf32, #tpu.memory_space<vmem>>, vector<1x64xf32>
    %get3A_9 = arith.constant 0 : index
    %get3A_10 = arith.constant 0 : index
    %get3A_11 = vector.load %arg4[%get3A_9, %get3A_10] : memref<64x64xf32, #tpu.memory_space<vmem>>, vector<64x64xf32>
    %dot_general3A_12 = arith.constant dense<0.000000e+00> : vector<1x64xf32>
    %dot_general3A_13 = tpu.matmul %get3A_8, %get3A_11, %dot_general3A_12 {dimension_numbers = #tpu.dot_dimension_numbers<[1], [1], [0], [0], [0, 0, 1, 0], [], []>, transpose_lhs_hint = false} : vector<1x64xf32>, vector<64x64xf32>, vector<1x64xf32> -> vector<1x64xf32>
    %get3A_14 = arith.constant 0 : index
    %get3A_15 = arith.constant 0 : index
    %get3A_16 = vector.load %arg1[%get3A_14, %get3A_15] : memref<2000x128xf32, #tpu.memory_space<vmem>>, vector<2000x128xf32>
    %dot_general3A_17 = arith.constant dense<0.000000e+00> : vector<2000x64xf32>
    %dot_general3A_18 = tpu.matmul %get3A_16, %dot_general3A_5, %dot_general3A_17 {dimension_numbers = #tpu.dot_dimension_numbers<[1], [1], [0], [0], [0, 0, 1, 0], [], []>, precision = #tpu.contract_precision<fp32>, transpose_lhs_hint = false} : vector<2000x128xf32>, vector<64x128xf32>, vector<2000x64xf32> -> vector<2000x64xf32>
    %add3A = vector.broadcast %dot_general3A_13 : vector<1x64xf32> to vector<2000x64xf32>
    %add3A_19 = arith.addf %dot_general3A_18, %add3A : vector<2000x64xf32>
    %get3A_20 = arith.constant 0 : index
    %get3A_21 = arith.constant 0 : index
    %get3A_22 = arith.constant 0 : index
    %get3A_23 = vector.load %arg2[%get3A_20, %get3A_21, %get3A_22] : memref<1x2000x16xf32, #tpu.memory_space<vmem>>, vector<1x2000x1xf32>
    %get3A_24 = vector.shape_cast %get3A_23 : vector<1x2000x1xf32> to vector<2000x1xf32>
    %get3A_25 = arith.constant 0 : index
    %get3A_26 = arith.constant 0 : index
    %get3A_27 = arith.constant 0 : index
    %get3A_28 = vector.load %arg3[%get3A_25, %get3A_26, %get3A_27] : memref<1x2000x16xf32, #tpu.memory_space<vmem>>, vector<1x2000x1xf32>
    %get3A_29 = vector.shape_cast %get3A_28 : vector<1x2000x1xf32> to vector<2000x1xf32>
    %add3A_30 = arith.addf %get3A_24, %get3A_29 : vector<2000x1xf32>
    %add3A_31 = arith.constant 1.000000e+00 : f32
    %add3A_32 = vector.broadcast %add3A_31 : f32 to vector<2000x1xf32>
    %add3A_33 = arith.addf %add3A_30, %add3A_32 : vector<2000x1xf32>
    %rsqrt3A = math.rsqrt %add3A_33 : vector<2000x1xf32>
    %mul3A = vector.broadcast %rsqrt3A : vector<2000x1xf32> to vector<2000x64xf32>
    %mul3A_34 = arith.mulf %add3A_19, %mul3A : vector<2000x64xf32>
    %slice3A = vector.extract_strided_slice %mul3A_34 {offsets = [0, 0], sizes = [2000, 32], strides = [1, 1]} : vector<2000x64xf32> to vector<2000x32xf32>
    %swap3A = arith.constant 0 : index
    %swap3A_35 = arith.constant 0 : index
    %swap3A_36 = vector.load %arg7[%swap3A, %swap3A_35] : memref<2000x32xf32, #tpu.memory_space<vmem>>, vector<2000x32xf32>
    tpu.vector_store %arg7[%swap3A, %swap3A_35], %slice3A {strides = array<i32>} : memref<2000x32xf32, #tpu.memory_space<vmem>>, vector<2000x32xf32>,
    %slice3A_37 = vector.extract_strided_slice %mul3A_34 {offsets = [0, 32], sizes = [2000, 32], strides = [1, 1]} : vector<2000x64xf32> to vector<2000x32xf32>
    %swap3A_38 = arith.constant 0 : index
    %swap3A_39 = arith.constant 0 : index
    %swap3A_40 = vector.load %arg8[%swap3A_38, %swap3A_39] : memref<2000x32xf32, #tpu.memory_space<vmem>>, vector<2000x32xf32>
    tpu.vector_store %arg8[%swap3A_38, %swap3A_39], %slice3A_37 {strides = array<i32>} : memref<2000x32xf32, #tpu.memory_space<vmem>>, vector<2000x32xf32>,
    return
  }
  func.func @transform_0(%arg0: i32) -> (i32, i32) {
    %c0_i32 = arith.constant 0 : i32
    %c0_i32_0 = arith.constant 0 : i32
    return %arg0, %c0_i32 : i32, i32
  }
  func.func @transform_1(%arg0: i32) -> (i32, i32, i32) {
    %jit3A = arith.constant 5 : i32
    %eq3A = arith.constant 0 : i32
    %eq3A_0 = arith.cmpi eq, %jit3A, %eq3A : i32
    %jit3A_1 = arith.constant 1 : i32
    %select_n3A = arith.select %eq3A_0, %jit3A_1, %jit3A : i32
    %rem3A = arith.remsi %arg0, %select_n3A : i32
    %ne3A = arith.constant 0 : i32
    %ne3A_2 = arith.cmpi ne, %rem3A, %ne3A : i32
    %lt3A = arith.constant 0 : i32
    %lt3A_3 = arith.cmpi slt, %rem3A, %lt3A : i32
    %lt3A_4 = arith.constant 0 : i32
    %lt3A_5 = arith.cmpi slt, %select_n3A, %lt3A_4 : i32
    %ne3A_6 = arith.xori %lt3A_3, %lt3A_5 : i1
    %and3A = arith.andi %ne3A_6, %ne3A_2 : i1
    %add3A = arith.addi %rem3A, %select_n3A : i32
    %select_n3A_7 = arith.select %and3A, %add3A, %rem3A : i32
    %c0_i32 = arith.constant 0 : i32
    %c0_i32_8 = arith.constant 0 : i32
    %c0_i32_9 = arith.constant 0 : i32
    return %c0_i32, %select_n3A_7, %c0_i32_8 : i32, i32, i32
  }
  func.func @transform_2(%arg0: i32) -> (i32, i32, i32) {
    %jit3A = arith.constant 5 : i32
    %eq3A = arith.constant 0 : i32
    %eq3A_0 = arith.cmpi eq, %jit3A, %eq3A : i32
    %jit3A_1 = arith.constant 1 : i32
    %select_n3A = arith.select %eq3A_0, %jit3A_1, %jit3A : i32
    %rem3A = arith.remsi %arg0, %select_n3A : i32
    %ne3A = arith.constant 0 : i32
    %ne3A_2 = arith.cmpi ne, %rem3A, %ne3A : i32
    %lt3A = arith.constant 0 : i32
    %lt3A_3 = arith.cmpi slt, %rem3A, %lt3A : i32
    %lt3A_4 = arith.constant 0 : i32
    %lt3A_5 = arith.cmpi slt, %select_n3A, %lt3A_4 : i32
    %ne3A_6 = arith.xori %lt3A_3, %lt3A_5 : i1
    %and3A = arith.andi %ne3A_6, %ne3A_2 : i1
    %add3A = arith.addi %rem3A, %select_n3A : i32
    %select_n3A_7 = arith.select %and3A, %add3A, %rem3A : i32
    %c1_i32 = arith.constant 1 : i32
    %c0_i32 = arith.constant 0 : i32
    %c0_i32_8 = arith.constant 0 : i32
    return %c1_i32, %select_n3A_7, %c0_i32 : i32, i32, i32
  }
  func.func @transform_3(%arg0: i32) -> (i32, i32) {
    %c0_i32 = arith.constant 0 : i32
    %c0_i32_0 = arith.constant 0 : i32
    %c0_i32_1 = arith.constant 0 : i32
    return %c0_i32, %c0_i32_0 : i32, i32
  }
  func.func @transform_4(%arg0: i32) -> (i32, i32) {
    %c0_i32 = arith.constant 0 : i32
    %c0_i32_0 = arith.constant 0 : i32
    %c0_i32_1 = arith.constant 0 : i32
    return %c0_i32, %c0_i32_0 : i32, i32
  }
  func.func @transform_5(%arg0: i32) -> (i32, i32) {
    %c0_i32 = arith.constant 0 : i32
    %c0_i32_0 = arith.constant 0 : i32
    %c0_i32_1 = arith.constant 0 : i32
    return %c0_i32, %c0_i32_0 : i32, i32
  }
  func.func @transform_6(%arg0: i32) -> (i32, i32) {
    %c0_i32 = arith.constant 0 : i32
    %c0_i32_0 = arith.constant 0 : i32
    return %arg0, %c0_i32 : i32, i32
  }
  func.func @transform_7(%arg0: i32) -> (i32, i32) {
    %c0_i32 = arith.constant 0 : i32
    %c0_i32_0 = arith.constant 0 : i32
    return %arg0, %c0_i32 : i32, i32
  }
}

module attributes {stable_mosaic.version = 14 : i64} {
  func.func @_tc_postattn_body(%arg0: i32, %arg1: memref<2000x128xf32, #tpu.memory_space<vmem>>, %arg2: memref<1x2000x16xf32, #tpu.memory_space<vmem>>, %arg3: memref<1x2000x16xf32, #tpu.memory_space<vmem>>, %arg4: memref<1x64xf32, #tpu.memory_space<vmem>>, %arg5: memref<1x64xf32, #tpu.memory_space<vmem>>, %arg6: memref<1x64xf32, #tpu.memory_space<vmem>>, %arg7: memref<1x64xf32, #tpu.memory_space<vmem>>, %arg8: memref<1x64xf32, #tpu.memory_space<vmem>>, %arg9: memref<1x1xf32, #tpu.memory_space<vmem>>, %arg10: memref<400x1x64xf32, #tpu.memory_space<vmem>>, %arg11: memref<400x4x64xf32, #tpu.memory_space<vmem>>) attributes {dimension_semantics = [#tpu.dimension_semantics<arbitrary>], iteration_bounds = array<i64: 25>, scalar_prefetch = 0 : i64, scratch_operands = 0 : i64, tpu.core_type = #tpu.core_type<tc>, window_params = [{transform_indices = @transform_0, window_bounds = array<i64: 2000, 128>}, {transform_indices = @transform_1, window_bounds = array<i64: 1, 2000, 16>}, {transform_indices = @transform_2, window_bounds = array<i64: 1, 2000, 16>}, {pipeline_mode = #tpu.pipeline_mode<synchronous>, transform_indices = @transform_3, window_bounds = array<i64: 1, 64>}, {pipeline_mode = #tpu.pipeline_mode<synchronous>, transform_indices = @transform_4, window_bounds = array<i64: 1, 64>}, {pipeline_mode = #tpu.pipeline_mode<synchronous>, transform_indices = @transform_5, window_bounds = array<i64: 1, 64>}, {pipeline_mode = #tpu.pipeline_mode<synchronous>, transform_indices = @transform_6, window_bounds = array<i64: 1, 64>}, {pipeline_mode = #tpu.pipeline_mode<synchronous>, transform_indices = @transform_7, window_bounds = array<i64: 1, 64>}, {pipeline_mode = #tpu.pipeline_mode<synchronous>, transform_indices = @transform_8, window_bounds = array<i64: 1, 1>}, {transform_indices = @transform_9, window_bounds = array<i64: 400, 1, 64>}, {transform_indices = @transform_10, window_bounds = array<i64: 400, 4, 64>}]} {
    %get3A = arith.constant 0 : index
    %get3A_0 = arith.constant 0 : index
    %get3A_1 = arith.constant 0 : index
    %get3A_2 = vector.load %arg2[%get3A, %get3A_0, %get3A_1] : memref<1x2000x16xf32, #tpu.memory_space<vmem>>, vector<1x2000x1xf32>
    %get3A_3 = vector.shape_cast %get3A_2 : vector<1x2000x1xf32> to vector<2000x1xf32>
    %get3A_4 = arith.constant 0 : index
    %get3A_5 = arith.constant 0 : index
    %get3A_6 = arith.constant 0 : index
    %get3A_7 = vector.load %arg3[%get3A_4, %get3A_5, %get3A_6] : memref<1x2000x16xf32, #tpu.memory_space<vmem>>, vector<1x2000x1xf32>
    %get3A_8 = vector.shape_cast %get3A_7 : vector<1x2000x1xf32> to vector<2000x1xf32>
    %add3A = arith.addf %get3A_3, %get3A_8 : vector<2000x1xf32>
    %add3A_9 = arith.constant 1.000000e+00 : f32
    %add3A_10 = vector.broadcast %add3A_9 : f32 to vector<2000x1xf32>
    %add3A_11 = arith.addf %add3A, %add3A_10 : vector<2000x1xf32>
    %rsqrt3A = math.rsqrt %add3A_11 : vector<2000x1xf32>
    %get3A_12 = arith.constant 0 : index
    %get3A_13 = arith.constant 0 : index
    %get3A_14 = vector.load %arg1[%get3A_12, %get3A_13] : memref<2000x128xf32, #tpu.memory_space<vmem>>, vector<2000x64xf32>
    %mul3A = vector.broadcast %rsqrt3A : vector<2000x1xf32> to vector<2000x64xf32>
    %mul3A_15 = arith.mulf %get3A_14, %mul3A : vector<2000x64xf32>
    %get3A_16 = arith.constant 0 : index
    %get3A_17 = arith.constant 0 : index
    %get3A_18 = vector.load %arg4[%get3A_16, %get3A_17] : memref<1x64xf32, #tpu.memory_space<vmem>>, vector<1x64xf32>
    %add3A_19 = vector.broadcast %get3A_18 : vector<1x64xf32> to vector<2000x64xf32>
    %add3A_20 = arith.addf %mul3A_15, %add3A_19 : vector<2000x64xf32>
    %reduce_sum3A = arith.constant dense<0.000000e+00> : vector<2000xf32>
    %reduce_sum3A_21 = vector.multi_reduction <add>, %add3A_20, %reduce_sum3A [1] : vector<2000x64xf32> to vector<2000xf32>
    %broadcast_in_dim3A = vector.shape_cast %reduce_sum3A_21 : vector<2000xf32> to vector<2000x1xf32>
    %div3A = arith.constant 6.400000e+01 : f32
    %div3A_22 = vector.broadcast %div3A : f32 to vector<2000x1xf32>
    %div3A_23 = arith.divf %broadcast_in_dim3A, %div3A_22 : vector<2000x1xf32>
    %sub3A = vector.broadcast %div3A_23 : vector<2000x1xf32> to vector<2000x64xf32>
    %sub3A_24 = arith.subf %add3A_20, %sub3A : vector<2000x64xf32>
    %sub3A_25 = vector.broadcast %div3A_23 : vector<2000x1xf32> to vector<2000x64xf32>
    %sub3A_26 = arith.subf %add3A_20, %sub3A_25 : vector<2000x64xf32>
    %mul3A_27 = arith.mulf %sub3A_24, %sub3A_26 : vector<2000x64xf32>
    %reduce_sum3A_28 = arith.constant dense<0.000000e+00> : vector<2000xf32>
    %reduce_sum3A_29 = vector.multi_reduction <add>, %mul3A_27, %reduce_sum3A_28 [1] : vector<2000x64xf32> to vector<2000xf32>
    %broadcast_in_dim3A_30 = vector.shape_cast %reduce_sum3A_29 : vector<2000xf32> to vector<2000x1xf32>
    %div3A_31 = arith.constant 6.400000e+01 : f32
    %div3A_32 = vector.broadcast %div3A_31 : f32 to vector<2000x1xf32>
    %div3A_33 = arith.divf %broadcast_in_dim3A_30, %div3A_32 : vector<2000x1xf32>
    %sub3A_34 = vector.broadcast %div3A_23 : vector<2000x1xf32> to vector<2000x64xf32>
    %sub3A_35 = arith.subf %add3A_20, %sub3A_34 : vector<2000x64xf32>
    %add3A_36 = arith.constant 9.99999974E-6 : f32
    %add3A_37 = vector.broadcast %add3A_36 : f32 to vector<2000x1xf32>
    %add3A_38 = arith.addf %div3A_33, %add3A_37 : vector<2000x1xf32>
    %rsqrt3A_39 = math.rsqrt %add3A_38 : vector<2000x1xf32>
    %mul3A_40 = vector.broadcast %rsqrt3A_39 : vector<2000x1xf32> to vector<2000x64xf32>
    %mul3A_41 = arith.mulf %sub3A_35, %mul3A_40 : vector<2000x64xf32>
    %get3A_42 = arith.constant 0 : index
    %get3A_43 = arith.constant 0 : index
    %get3A_44 = vector.load %arg5[%get3A_42, %get3A_43] : memref<1x64xf32, #tpu.memory_space<vmem>>, vector<1x64xf32>
    %mul3A_45 = vector.broadcast %get3A_44 : vector<1x64xf32> to vector<2000x64xf32>
    %mul3A_46 = arith.mulf %mul3A_41, %mul3A_45 : vector<2000x64xf32>
    %get3A_47 = arith.constant 0 : index
    %get3A_48 = arith.constant 0 : index
    %get3A_49 = vector.load %arg6[%get3A_47, %get3A_48] : memref<1x64xf32, #tpu.memory_space<vmem>>, vector<1x64xf32>
    %add3A_50 = vector.broadcast %get3A_49 : vector<1x64xf32> to vector<2000x64xf32>
    %add3A_51 = arith.addf %mul3A_46, %add3A_50 : vector<2000x64xf32>
    %reshape3A = vector.shape_cast %add3A_51 : vector<2000x64xf32> to vector<400x5x64xf32>
    %slice3A = vector.extract_strided_slice %reshape3A {offsets = [0, 0, 0], sizes = [400, 1, 64], strides = [1, 1, 1]} : vector<400x5x64xf32> to vector<400x1x64xf32>
    %squeeze3A = vector.shape_cast %slice3A : vector<400x1x64xf32> to vector<400x64xf32>
    %slice3A_52 = vector.extract_strided_slice %reshape3A {offsets = [0, 0, 0], sizes = [400, 1, 64], strides = [1, 1, 1]} : vector<400x5x64xf32> to vector<400x1x64xf32>
    %swap3A = arith.constant 0 : index
    %swap3A_53 = arith.constant 0 : index
    %swap3A_54 = arith.constant 0 : index
    %swap3A_55 = vector.load %arg10[%swap3A, %swap3A_53, %swap3A_54] : memref<400x1x64xf32, #tpu.memory_space<vmem>>, vector<400x1x64xf32>
    tpu.vector_store %arg10[%swap3A, %swap3A_53, %swap3A_54], %slice3A_52 {strides = array<i32>} : memref<400x1x64xf32, #tpu.memory_space<vmem>>, vector<400x1x64xf32>,
    %get3A_56 = arith.constant 0 : index
    %get3A_57 = arith.constant 0 : index
    %get3A_58 = vector.load %arg7[%get3A_56, %get3A_57] : memref<1x64xf32, #tpu.memory_space<vmem>>, vector<1x64xf32>
    %mul3A_59 = vector.broadcast %get3A_58 : vector<1x64xf32> to vector<400x64xf32>
    %mul3A_60 = arith.mulf %squeeze3A, %mul3A_59 : vector<400x64xf32>
    %reduce_sum3A_61 = arith.constant dense<0.000000e+00> : vector<400xf32>
    %reduce_sum3A_62 = vector.multi_reduction <add>, %mul3A_60, %reduce_sum3A_61 [1] : vector<400x64xf32> to vector<400xf32>
    %broadcast_in_dim3A_63 = vector.shape_cast %reduce_sum3A_62 : vector<400xf32> to vector<400x1xf32>
    %get3A_64 = arith.constant 0 : index
    %get3A_65 = arith.constant 0 : index
    %get3A_66 = vector.load %arg9[%get3A_64, %get3A_65] : memref<1x1xf32, #tpu.memory_space<vmem>>, vector<1x1xf32>
    %add3A_67 = vector.broadcast %get3A_66 : vector<1x1xf32> to vector<400x1xf32>
    %add3A_68 = arith.addf %broadcast_in_dim3A_63, %add3A_67 : vector<400x1xf32>
    %slice3A_69 = vector.extract_strided_slice %reshape3A {offsets = [0, 1, 0], sizes = [400, 1, 64], strides = [1, 1, 1]} : vector<400x5x64xf32> to vector<400x1x64xf32>
    %squeeze3A_70 = vector.shape_cast %slice3A_69 : vector<400x1x64xf32> to vector<400x64xf32>
    %slice3A_71 = vector.extract_strided_slice %reshape3A {offsets = [0, 2, 0], sizes = [400, 1, 64], strides = [1, 1, 1]} : vector<400x5x64xf32> to vector<400x1x64xf32>
    %squeeze3A_72 = vector.shape_cast %slice3A_71 : vector<400x1x64xf32> to vector<400x64xf32>
    %slice3A_73 = vector.extract_strided_slice %reshape3A {offsets = [0, 3, 0], sizes = [400, 1, 64], strides = [1, 1, 1]} : vector<400x5x64xf32> to vector<400x1x64xf32>
    %squeeze3A_74 = vector.shape_cast %slice3A_73 : vector<400x1x64xf32> to vector<400x64xf32>
    %slice3A_75 = vector.extract_strided_slice %reshape3A {offsets = [0, 4, 0], sizes = [400, 1, 64], strides = [1, 1, 1]} : vector<400x5x64xf32> to vector<400x1x64xf32>
    %squeeze3A_76 = vector.shape_cast %slice3A_75 : vector<400x1x64xf32> to vector<400x64xf32>
    %get3A_77 = arith.constant 0 : index
    %get3A_78 = arith.constant 0 : index
    %get3A_79 = vector.load %arg8[%get3A_77, %get3A_78] : memref<1x64xf32, #tpu.memory_space<vmem>>, vector<1x64xf32>
    %mul3A_80 = vector.broadcast %get3A_79 : vector<1x64xf32> to vector<400x64xf32>
    %mul3A_81 = arith.mulf %squeeze3A_70, %mul3A_80 : vector<400x64xf32>
    %reduce_sum3A_82 = arith.constant dense<0.000000e+00> : vector<400xf32>
    %reduce_sum3A_83 = vector.multi_reduction <add>, %mul3A_81, %reduce_sum3A_82 [1] : vector<400x64xf32> to vector<400xf32>
    %broadcast_in_dim3A_84 = vector.shape_cast %reduce_sum3A_83 : vector<400xf32> to vector<400x1xf32>
    %add3A_85 = arith.addf %add3A_68, %broadcast_in_dim3A_84 : vector<400x1xf32>
    %get3A_86 = arith.constant 0 : index
    %get3A_87 = arith.constant 0 : index
    %get3A_88 = vector.load %arg8[%get3A_86, %get3A_87] : memref<1x64xf32, #tpu.memory_space<vmem>>, vector<1x64xf32>
    %mul3A_89 = vector.broadcast %get3A_88 : vector<1x64xf32> to vector<400x64xf32>
    %mul3A_90 = arith.mulf %squeeze3A_72, %mul3A_89 : vector<400x64xf32>
    %reduce_sum3A_91 = arith.constant dense<0.000000e+00> : vector<400xf32>
    %reduce_sum3A_92 = vector.multi_reduction <add>, %mul3A_90, %reduce_sum3A_91 [1] : vector<400x64xf32> to vector<400xf32>
    %broadcast_in_dim3A_93 = vector.shape_cast %reduce_sum3A_92 : vector<400xf32> to vector<400x1xf32>
    %add3A_94 = arith.addf %add3A_68, %broadcast_in_dim3A_93 : vector<400x1xf32>
    %get3A_95 = arith.constant 0 : index
    %get3A_96 = arith.constant 0 : index
    %get3A_97 = vector.load %arg8[%get3A_95, %get3A_96] : memref<1x64xf32, #tpu.memory_space<vmem>>, vector<1x64xf32>
    %mul3A_98 = vector.broadcast %get3A_97 : vector<1x64xf32> to vector<400x64xf32>
    %mul3A_99 = arith.mulf %squeeze3A_74, %mul3A_98 : vector<400x64xf32>
    %reduce_sum3A_100 = arith.constant dense<0.000000e+00> : vector<400xf32>
    %reduce_sum3A_101 = vector.multi_reduction <add>, %mul3A_99, %reduce_sum3A_100 [1] : vector<400x64xf32> to vector<400xf32>
    %broadcast_in_dim3A_102 = vector.shape_cast %reduce_sum3A_101 : vector<400xf32> to vector<400x1xf32>
    %add3A_103 = arith.addf %add3A_68, %broadcast_in_dim3A_102 : vector<400x1xf32>
    %get3A_104 = arith.constant 0 : index
    %get3A_105 = arith.constant 0 : index
    %get3A_106 = vector.load %arg8[%get3A_104, %get3A_105] : memref<1x64xf32, #tpu.memory_space<vmem>>, vector<1x64xf32>
    %mul3A_107 = vector.broadcast %get3A_106 : vector<1x64xf32> to vector<400x64xf32>
    %mul3A_108 = arith.mulf %squeeze3A_76, %mul3A_107 : vector<400x64xf32>
    %reduce_sum3A_109 = arith.constant dense<0.000000e+00> : vector<400xf32>
    %reduce_sum3A_110 = vector.multi_reduction <add>, %mul3A_108, %reduce_sum3A_109 [1] : vector<400x64xf32> to vector<400xf32>
    %broadcast_in_dim3A_111 = vector.shape_cast %reduce_sum3A_110 : vector<400xf32> to vector<400x1xf32>
    %add3A_112 = arith.addf %add3A_68, %broadcast_in_dim3A_111 : vector<400x1xf32>
    %max3A = arith.maximumf %add3A_85, %add3A_94 : vector<400x1xf32>
    %max3A_113 = arith.maximumf %add3A_103, %add3A_112 : vector<400x1xf32>
    %max3A_114 = arith.maximumf %max3A, %max3A_113 : vector<400x1xf32>
    %sub3A_115 = arith.subf %add3A_85, %max3A_114 : vector<400x1xf32>
    %exp3A = math.exp %sub3A_115 : vector<400x1xf32>
    %sub3A_116 = arith.subf %add3A_94, %max3A_114 : vector<400x1xf32>
    %exp3A_117 = math.exp %sub3A_116 : vector<400x1xf32>
    %sub3A_118 = arith.subf %add3A_103, %max3A_114 : vector<400x1xf32>
    %exp3A_119 = math.exp %sub3A_118 : vector<400x1xf32>
    %sub3A_120 = arith.subf %add3A_112, %max3A_114 : vector<400x1xf32>
    %exp3A_121 = math.exp %sub3A_120 : vector<400x1xf32>
    %add3A_122 = arith.addf %exp3A, %exp3A_117 : vector<400x1xf32>
    %add3A_123 = arith.addf %add3A_122, %exp3A_119 : vector<400x1xf32>
    %add3A_124 = arith.addf %add3A_123, %exp3A_121 : vector<400x1xf32>
    %div3A_125 = arith.divf %exp3A, %add3A_124 : vector<400x1xf32>
    %mul3A_126 = vector.broadcast %div3A_125 : vector<400x1xf32> to vector<400x64xf32>
    %mul3A_127 = arith.mulf %squeeze3A_70, %mul3A_126 : vector<400x64xf32>
    %broadcast_in_dim3A_128 = vector.shape_cast %mul3A_127 : vector<400x64xf32> to vector<400x1x64xf32>
    %swap3A_129 = arith.constant 0 : index
    %swap3A_130 = arith.constant 0 : index
    %swap3A_131 = arith.constant 0 : index
    %swap3A_132 = vector.load %arg11[%swap3A_129, %swap3A_130, %swap3A_131] : memref<400x4x64xf32, #tpu.memory_space<vmem>>, vector<400x1x64xf32>
    tpu.vector_store %arg11[%swap3A_129, %swap3A_130, %swap3A_131], %broadcast_in_dim3A_128 {strides = array<i32>} : memref<400x4x64xf32, #tpu.memory_space<vmem>>, vector<400x1x64xf32>,
    %div3A_133 = arith.divf %exp3A_117, %add3A_124 : vector<400x1xf32>
    %mul3A_134 = vector.broadcast %div3A_133 : vector<400x1xf32> to vector<400x64xf32>
    %mul3A_135 = arith.mulf %squeeze3A_72, %mul3A_134 : vector<400x64xf32>
    %broadcast_in_dim3A_136 = vector.shape_cast %mul3A_135 : vector<400x64xf32> to vector<400x1x64xf32>
    %swap3A_137 = arith.constant 0 : index
    %swap3A_138 = arith.constant 1 : index
    %swap3A_139 = arith.constant 0 : index
    %swap3A_140 = vector.load %arg11[%swap3A_137, %swap3A_138, %swap3A_139] : memref<400x4x64xf32, #tpu.memory_space<vmem>>, vector<400x1x64xf32>
    tpu.vector_store %arg11[%swap3A_137, %swap3A_138, %swap3A_139], %broadcast_in_dim3A_136 {strides = array<i32>} : memref<400x4x64xf32, #tpu.memory_space<vmem>>, vector<400x1x64xf32>,
    %div3A_141 = arith.divf %exp3A_119, %add3A_124 : vector<400x1xf32>
    %mul3A_142 = vector.broadcast %div3A_141 : vector<400x1xf32> to vector<400x64xf32>
    %mul3A_143 = arith.mulf %squeeze3A_74, %mul3A_142 : vector<400x64xf32>
    %broadcast_in_dim3A_144 = vector.shape_cast %mul3A_143 : vector<400x64xf32> to vector<400x1x64xf32>
    %swap3A_145 = arith.constant 0 : index
    %swap3A_146 = arith.constant 2 : index
    %swap3A_147 = arith.constant 0 : index
    %swap3A_148 = vector.load %arg11[%swap3A_145, %swap3A_146, %swap3A_147] : memref<400x4x64xf32, #tpu.memory_space<vmem>>, vector<400x1x64xf32>
    tpu.vector_store %arg11[%swap3A_145, %swap3A_146, %swap3A_147], %broadcast_in_dim3A_144 {strides = array<i32>} : memref<400x4x64xf32, #tpu.memory_space<vmem>>, vector<400x1x64xf32>,
    %div3A_149 = arith.divf %exp3A_121, %add3A_124 : vector<400x1xf32>
    %mul3A_150 = vector.broadcast %div3A_149 : vector<400x1xf32> to vector<400x64xf32>
    %mul3A_151 = arith.mulf %squeeze3A_76, %mul3A_150 : vector<400x64xf32>
    %broadcast_in_dim3A_152 = vector.shape_cast %mul3A_151 : vector<400x64xf32> to vector<400x1x64xf32>
    %swap3A_153 = arith.constant 0 : index
    %swap3A_154 = arith.constant 3 : index
    %swap3A_155 = arith.constant 0 : index
    %swap3A_156 = vector.load %arg11[%swap3A_153, %swap3A_154, %swap3A_155] : memref<400x4x64xf32, #tpu.memory_space<vmem>>, vector<400x1x64xf32>
    tpu.vector_store %arg11[%swap3A_153, %swap3A_154, %swap3A_155], %broadcast_in_dim3A_152 {strides = array<i32>} : memref<400x4x64xf32, #tpu.memory_space<vmem>>, vector<400x1x64xf32>,
    return
  }
  func.func @transform_0(%arg0: i32) -> (i32, i32) {
    %c0_i32 = arith.constant 0 : i32
    %c0_i32_0 = arith.constant 0 : i32
    return %arg0, %c0_i32 : i32, i32
  }
  func.func @transform_1(%arg0: i32) -> (i32, i32, i32) {
    %jit3A = arith.constant 5 : i32
    %eq3A = arith.constant 0 : i32
    %eq3A_0 = arith.cmpi eq, %jit3A, %eq3A : i32
    %jit3A_1 = arith.constant 1 : i32
    %select_n3A = arith.select %eq3A_0, %jit3A_1, %jit3A : i32
    %rem3A = arith.remsi %arg0, %select_n3A : i32
    %ne3A = arith.constant 0 : i32
    %ne3A_2 = arith.cmpi ne, %rem3A, %ne3A : i32
    %lt3A = arith.constant 0 : i32
    %lt3A_3 = arith.cmpi slt, %rem3A, %lt3A : i32
    %lt3A_4 = arith.constant 0 : i32
    %lt3A_5 = arith.cmpi slt, %select_n3A, %lt3A_4 : i32
    %ne3A_6 = arith.xori %lt3A_3, %lt3A_5 : i1
    %and3A = arith.andi %ne3A_6, %ne3A_2 : i1
    %add3A = arith.addi %rem3A, %select_n3A : i32
    %select_n3A_7 = arith.select %and3A, %add3A, %rem3A : i32
    %c0_i32 = arith.constant 0 : i32
    %c0_i32_8 = arith.constant 0 : i32
    %c0_i32_9 = arith.constant 0 : i32
    return %c0_i32, %select_n3A_7, %c0_i32_8 : i32, i32, i32
  }
  func.func @transform_2(%arg0: i32) -> (i32, i32, i32) {
    %jit3A = arith.constant 5 : i32
    %eq3A = arith.constant 0 : i32
    %eq3A_0 = arith.cmpi eq, %jit3A, %eq3A : i32
    %jit3A_1 = arith.constant 1 : i32
    %select_n3A = arith.select %eq3A_0, %jit3A_1, %jit3A : i32
    %rem3A = arith.remsi %arg0, %select_n3A : i32
    %ne3A = arith.constant 0 : i32
    %ne3A_2 = arith.cmpi ne, %rem3A, %ne3A : i32
    %lt3A = arith.constant 0 : i32
    %lt3A_3 = arith.cmpi slt, %rem3A, %lt3A : i32
    %lt3A_4 = arith.constant 0 : i32
    %lt3A_5 = arith.cmpi slt, %select_n3A, %lt3A_4 : i32
    %ne3A_6 = arith.xori %lt3A_3, %lt3A_5 : i1
    %and3A = arith.andi %ne3A_6, %ne3A_2 : i1
    %add3A = arith.addi %rem3A, %select_n3A : i32
    %select_n3A_7 = arith.select %and3A, %add3A, %rem3A : i32
    %c1_i32 = arith.constant 1 : i32
    %c0_i32 = arith.constant 0 : i32
    %c0_i32_8 = arith.constant 0 : i32
    return %c1_i32, %select_n3A_7, %c0_i32 : i32, i32, i32
  }
  func.func @transform_3(%arg0: i32) -> (i32, i32) {
    %c0_i32 = arith.constant 0 : i32
    %c0_i32_0 = arith.constant 0 : i32
    %c0_i32_1 = arith.constant 0 : i32
    return %c0_i32, %c0_i32_0 : i32, i32
  }
  func.func @transform_4(%arg0: i32) -> (i32, i32) {
    %c0_i32 = arith.constant 0 : i32
    %c0_i32_0 = arith.constant 0 : i32
    %c0_i32_1 = arith.constant 0 : i32
    return %c0_i32, %c0_i32_0 : i32, i32
  }
  func.func @transform_5(%arg0: i32) -> (i32, i32) {
    %c0_i32 = arith.constant 0 : i32
    %c0_i32_0 = arith.constant 0 : i32
    %c0_i32_1 = arith.constant 0 : i32
    return %c0_i32, %c0_i32_0 : i32, i32
  }
  func.func @transform_6(%arg0: i32) -> (i32, i32) {
    %c0_i32 = arith.constant 0 : i32
    %c0_i32_0 = arith.constant 0 : i32
    %c0_i32_1 = arith.constant 0 : i32
    return %c0_i32, %c0_i32_0 : i32, i32
  }
  func.func @transform_7(%arg0: i32) -> (i32, i32) {
    %c0_i32 = arith.constant 0 : i32
    %c0_i32_0 = arith.constant 0 : i32
    %c0_i32_1 = arith.constant 0 : i32
    return %c0_i32, %c0_i32_0 : i32, i32
  }
  func.func @transform_8(%arg0: i32) -> (i32, i32) {
    %c0_i32 = arith.constant 0 : i32
    %c0_i32_0 = arith.constant 0 : i32
    %c0_i32_1 = arith.constant 0 : i32
    return %c0_i32, %c0_i32_0 : i32, i32
  }
  func.func @transform_9(%arg0: i32) -> (i32, i32, i32) {
    %c0_i32 = arith.constant 0 : i32
    %c0_i32_0 = arith.constant 0 : i32
    %c0_i32_1 = arith.constant 0 : i32
    return %arg0, %c0_i32, %c0_i32_0 : i32, i32, i32
  }
  func.func @transform_10(%arg0: i32) -> (i32, i32, i32) {
    %c0_i32 = arith.constant 0 : i32
    %c0_i32_0 = arith.constant 0 : i32
    %c0_i32_1 = arith.constant 0 : i32
    return %arg0, %c0_i32, %c0_i32_0 : i32, i32, i32
  }
}

</mosaic_0001>

<sc_bundles>
// kernel: kernel.6.cloned.1.call-start
scs
__scs_entry_jumppad:
0x0: {  	(pc) =	sbr.rel $0x88, $3  }
0x1: {  	(tag) =	ssettag $0x0;
	lr =	simm.s32 $0x1  }
0x2: {  	[smem:$0x3F97] =	sst lr;
	_ =	strace $0xD0000000  }
0x3: {  	_ = 	snop  }
0x4: {  	_ = 	snop  }
0x5: {  	_ = 	snop  }
0x6: {  	_ = 	snop  }
0x7: {  	_ = 	snop  }
__scs_overlays_trampoline_lowered:
0x8: {  	[smem:$0x3FA6] =	sst s0  }
0x9: {  	[smem:$0x3FA7] =	sst s1  }
0xa: {  	[smem:$0x3FA8] =	sst s2  }
0xb: {  	[smem:$0x3FA9] =	sst s3  }
0xc: {  	[smem:$0x3FAA] =	sst s4  }
0xd: {  	[smem:$0x3FAB] =	sst s5  }
0xe: {  	[smem:$0x3FAC] =	sst s6  }
0xf: {  	[smem:$0x3FAD] =	sst s7  }
0x10: {  	[smem:$0x3FAE] =	sst s8  }
0x11: {  	[smem:$0x3FAF] =	sst s9;
	s0 =	simm.s32 @!p0 $0x0  }
0x12: {  	s1 =	sld [smem:$0x3F95];
	s0 =	simm.s32 @p0 $0x1  }
0x13: {  	[smem:$0x3FB0] =	sst s0;
	s0 =	simm.s32 @!p1 $0x0  }
0x14: {  	s2 =	sld [smem:$0x3F94];
	s0 =	simm.s32 @p1 $0x1  }
0x15: {  	[smem:$0x3FB1] =	sst s0;
	s0 =	simm.s32 @!p2 $0x0  }
0x16: {  	s3 =	sld [smem:$0x3FDB];
	s0 =	simm.s32 @p2 $0x1  }
0x17: {  	s4 =	simm.s32 $0x1BF5;
	[smem:$0x3FB3] =	sst s0  }
0x18: {  	s0 =	sld [smem:$0x3F96];
	_ =	swait.ge [sflag:s4], $0x0  }
0x19: {  	s7 =	sld [smem:$0x3F97]  }
0x1a: {  	s8 =	sadd.s32 $0xFFFFE003, lr  }
0x1b: {  	s9 =	sadd.s32 $0xFFFFFEF7, lr;
	s5 =	simm.s32 $0xFFFFFFFF;
	p2 =	slt.u32 s8, $0xFFFFF086  }
0x1c: {  	p1 =	slt.u32 s9, $0xF7A;
	s5 =	simm.s32 @!p2 $0x0  }
0x1d: {  	s5 =	simm.s32 @p1 $0x1;
	p0 =	seq.s32 s7, s2  }
0x1e: {  	s7 =	smul.u32 @!p0 $0xF7A, s2;
	p2 =	seq.s32 @!p0 s5, $0x0  }
0x1f: {  	s9 =	smul.u32 $0xF7A, s1;
	s8 =	simm.s32 @!p0 $0x1BF5;
	p2 =	por !p2, p0  }
0x20: {  	[sflag:s8] =	ssyncset.s32 @!p0 $0xFFFFF086;
	s6 =	sadd.s32 @!p0 s3, s7;
	s7 =	simm.s32 @!p0 $0x108  }
0x21: {  	s3 =	sadd.s32 s3, s9;
	s6 =	sadd.s32 @!p0 $0x88, s6;
	s7 =	simm.s32 @p2 $0x1082  }
0x22: {  	[simem:s7], [sflag:s8] =	dma.local @!p0 [hbm:s6], $0xF7A  }
0x23: {  	s9 =	sor.u32 $0xD0000000, s2;
	s6 =	simm.s32 $0x108;
	_ =	swait.ge @!p0 [sflag:s8], $0x0  }
0x24: {  	s3 =	sadd.s32 $0x88, s3;
	s6 =	simm.s32 @!p1 $0x1082;
	[sflag:s4] =	ssyncset.s32 $0xFFFFF086  }
0x25: {  	[simem:s6], [sflag:s4] =	dma.local [hbm:s3], $0xF7A  }
0x26: {  	[smem:$0x3F97] =	sst s1;
	(tag) =	ssettag s2;
	_ =	strace s9  }
0x27: {  	s1 =	sld [smem:$0x3FA7]  }
0x28: {  	s2 =	sld [smem:$0x3FA8]  }
0x29: {  	s4 =	sld [smem:$0x3FAA]  }
0x2a: {  	p0 =	seq.s32 s5, $0x0;
	s5 =	sld [smem:$0x3FAB]  }
0x2b: {  	s6 =	sld [smem:$0x3FAC]  }
0x2c: {  	s7 =	sld [smem:$0x3FAD]  }
0x2d: {  	s3 =	simm.s32 $0x108;
	s8 =	sld [smem:$0x3FAE]  }
0x2e: {  	s3 =	simm.s32 @!p0 $0x1082;
	s9 =	sld [smem:$0x3FAF]  }
0x2f: {  	lr =	sadd.s32 s0, s3;
	s0 =	sld [smem:$0x3FA6]  }
0x30: {  	s3 =	sld [smem:$0x3FA9]  }
0x31: {  	[smem:$0x3FB2] =	sst s10  }
0x32: {  	s10 =	sld [smem:$0x3FB0];
	_ =	sdelay $0x3  }
0x33: {  	p0 =	seq.s32 s10, $0x1;
	s10 =	sld [smem:$0x3FB2];
	_ =	sdelay $0x3  }
0x34: {  	[smem:$0x3FB2] =	sst s10  }
0x35: {  	s10 =	sld [smem:$0x3FB1];
	_ =	sdelay $0x3  }
0x36: {  	p1 =	seq.s32 s10, $0x1;
	s10 =	sld [smem:$0x3FB2];
	_ =	sdelay $0x3  }
0x37: {  	[smem:$0x3FB2] =	sst s10  }
0x38: {  	s10 =	sld [smem:$0x3FB3]  }
0x39: {  	_ = 	snop;
	(pc) =	sbr.ind lr, $3  }
0x3a: {  	_ = 	snop  }
0x3b: {  	_ = 	snop  }
0x3c: {  	p2 =	seq.s32 s10, $0x1;
	s10 =	sld [smem:$0x3FB2]  }
0x3d: {  	_ =	shalt  }
0x3e: {  	_ =	shalt  }
0x3f: {  	_ =	shalt  }
0x40: {  	_ =	shalt  }
0x41: {  	_ =	shalt  }
0x42: {  	_ =	shalt  }
0x43: {  	_ =	shalt  }
0x44: {  	_ =	shalt  }
0x45: {  	_ =	shalt  }
0x46: {  	_ =	shalt  }
0x47: {  	_ =	shalt  }
0x48: {  	_ =	shalt  }
0x49: {  	_ =	shalt  }
0x4a: {  	_ =	shalt  }
0x4b: {  	_ =	shalt  }
0x4c: {  	_ =	shalt  }
0x4d: {  	_ =	shalt  }
0x4e: {  	_ =	shalt  }
0x4f: {  	_ =	shalt  }
0x50: {  	_ =	shalt  }
0x51: {  	_ =	shalt  }
0x52: {  	_ =	shalt  }
0x53: {  	_ =	shalt  }
0x54: {  	_ =	shalt  }
0x55: {  	_ =	shalt  }
0x56: {  	_ =	shalt  }
0x57: {  	_ =	shalt  }
0x58: {  	_ =	shalt  }
0x59: {  	_ =	shalt  }
0x5a: {  	_ =	shalt  }
0x5b: {  	_ =	shalt  }
0x5c: {  	_ =	shalt  }
0x5d: {  	_ =	shalt  }
0x5e: {  	_ =	shalt  }
0x5f: {  	_ =	shalt  }
0x60: {  	_ =	shalt  }
0x61: {  	_ =	shalt  }
0x62: {  	_ =	shalt  }
0x63: {  	_ =	shalt  }
0x64: {  	_ =	shalt  }
0x65: {  	_ =	shalt  }
0x66: {  	_ =	shalt  }
0x67: {  	_ =	shalt  }
0x68: {  	_ =	shalt  }
0x69: {  	_ =	shalt  }
0x6a: {  	_ =	shalt  }
0x6b: {  	_ =	shalt  }
0x6c: {  	_ =	shalt  }
0x6d: {  	_ =	shalt  }
0x6e: {  	_ =	shalt  }
0x6f: {  	_ =	shalt  }
0x70: {  	_ =	shalt  }
0x71: {  	_ =	shalt  }
0x72: {  	_ =	shalt  }
0x73: {  	_ =	shalt  }
0x74: {  	_ =	shalt  }
0x75: {  	_ =	shalt  }
0x76: {  	_ =	shalt  }
0x77: {  	_ =	shalt  }
0x78: {  	_ =	shalt  }
0x79: {  	_ =	shalt  }
0x7a: {  	_ =	shalt  }
0x7b: {  	_ =	shalt  }
0x7c: {  	_ =	shalt  }
0x7d: {  	_ =	shalt  }
0x7e: {  	_ =	shalt  }
0x7f: {  	_ =	shalt  }
0x80: {  	_ =	shalt  }
0x81: {  	_ =	shalt  }
0x82: {  	_ =	shalt  }
0x83: {  	_ =	shalt  }
0x84: {  	_ =	shalt  }
0x85: {  	_ =	shalt  }
0x86: {  	_ =	shalt  }
0x87: {  	_ =	shalt  }
.Lfunc_end0:
.L_simem_size_0:
called_computation_lowered:
.L_overlay_start_0:
0x88: {  	s2 =	sld [smem:$0x3FD9]  }
0x89: {  	s3 =	sld [smem:$0x3FFE];
	_ =	sdelay $0x1  }
0x8a: {  	s1 =	srdreg.scid  }
0x8b: {  	s0 =	sand.u32 $0x1, s1  }
0x8c: {  	s14 =	sshll.u32 s0, $0xA;
	s2 =	sadd.s32 s3, s2  }
0x8d: {  	s2 =	sadd.s32 s2, s14  }
0x8e: {  	[smem:$0x3FBE] =	sst s2  }
0x8f: {  	_ = 	snop  }
0x90: {  	s2 =	sld [smem:$0x3FD0];
	_ =	sdelay $0x2  }
0x91: {  	s15 =	simm.s32 $0xA;
	s4 =	simm.s32 $0x10  }
0x92: {  	[smem:s4], [sflag:s15] =	dma.local [hbm:s2], $0x1  }
0x93: {  	_ =	swait.eq [sflag:s15], $0x1  }
0x94: {  	[sflag:s15] =	ssyncset.done $0x0  }
0x95: {  	[sflag:s15] =	ssyncadd.s32 $0xFFFFFFFF  }
0x96: {  	s16 =	sld [smem:$0x10];
	(tm) =	ssettm $0x1  }
0x97: {  	s17 =	sld [smem:$0x3FFB];
	_ =	sdelay $0x3  }
0x98: {  	_ =	strace s17  }
0x99: {  	s3 =	sld [smem:$0x3FFC];
	_ =	sdelay $0x3  }
0x9a: {  	_ =	strace s3  }
0x9b: {  	s3 =	sld [smem:$0x3FFD];
	_ =	sdelay $0x3  }
0x9c: {  	_ =	strace s3  }
0x9d: {  	_ =	strace $0x8FFFFFFF  }
0x9e: {  	s18 =	sld [smem:$0x3FDB];
	_ =	sdelay $0x1  }
0x9f: {  	s19 =	simm.s32 $_scs_section_size  }
0xa0: {  	s5 =	simm.s32 $_size__tile_overlayer_lowered;
	s6 =	simm.s32 $_tile_overlayer_lowered  }
0xa1: {  	s22 =	simm.s32 $0x1BFF;
	s21 =	sshll.u32 s6, $0x1;
	s3 =	sadd.s32 s19, s18  }
0xa2: {  	s7 =	simm.s32 $0x0;
	s20 =	sshll.u32 s5, $0x1;
	s5 =	sadd.s32 s21, s3  }
0xa3: {  	[timem:s7], [sflag:s22] =	dma.local [hbm:s5], s20  }
0xa4: {  	_ =	swait.ge [sflag:s22], s20  }
0xa5: {  	s4 =	ssub.s32 $0x0, s20;
	[sflag:s22] =	ssyncset.done $0x0  }
0xa6: {  	[sflag:s22] =	ssyncadd.s32 s4;
	_ =	sdelay $0x1  }
0xa7: {  	s23 =	simm.s32 $0x1B8B  }
0xa8: {  	_ =	swait.ge [sflag:s23], $0x1  }
0xa9: {  	[sflag:s23] =	ssyncset.done $0x0  }
0xaa: {  	s25 =	simm.s32 $0x1B8E;
	s24 =	sld [smem:$0x3FFE];
	[sflag:s23] =	ssyncadd.s32 $0xFFFFFFFF  }
0xab: {  	s26 =	simm.s32 $execute0_lowered;
	[smem:$0x3FD2] =	sst s25  }
0xac: {  	s5 =	sshll.u32 s26, $0x1;
	_ =	strace $0x80000046;
	[dreg:$0x1] =	wrdreg $0xFFFFFFFF  }
0xad: {  	s28 =	simm.s32 $_size_execute0_lowered;
	s3 =	sadd.s32 s3, s5;
	[dreg:$0x0] =	wrdreg $0x0  }
0xae: {  	s5 =	sshll.u32 s28, $0x1;
	[dreg:$0x2] =	wrdreg s3  }
0xaf: {  	[dreg:$0x3] =	wrdreg s5  }
0xb0: {  	[dreg:$0x4] =	wrdreg $0xC0  }
0xb1: {  	_ =	task [dreg:s7], $0x5FFFF  }
0xb2: {  	[dreg:$0x1] =	wrdreg $0xFFFFFFFF  }
0xb3: {  	[dreg:$0x0] =	wrdreg $0x60  }
0xb4: {  	[dreg:$0x2] =	wrdreg s24  }
0xb5: {  	[dreg:$0x3] =	wrdreg s16  }
0xb6: {  	[dreg:$0x4] =	wrdreg $0x42680  }
0xb7: {  	[dreg:$0x5] =	wrdreg $0x9  }
0xb8: {  	_ =	task.clear_ibuf [dreg:s7], $0x6FFFF;
	_ =	strace $0x90000046  }
0xb9: {  	s29 =	simm.s32 $0x9;
	_ =	strace $0x80000048  }
0xba: {  	_ =	swait.ge [sflag:s29], $0x1  }
0xbb: {  	[sflag:s29] =	ssyncadd.s32 $0xFFFFFFFF  }
0xbc: {  	_ =	strace $0x90000048  }
0xbd: {  	_ =	sfence  }
0xbe: {  	s30 =	sld [smem:$0x0];
	_ =	sdelay $0x2  }
0xbf: {  	s31 =	sshll.u32 s1, $0xD;
	s1 =	sshrl.u32 s1, $0x2  }
0xc0: {  	s3 =	sand.u32 $0x4000, s31;
	s1 =	sadd.s32 s1, s30  }
0xc1: {  	s0 =	sor.u32 s3, s0;
	s1 =	sshll.u32 s1, $0x11  }
0xc2: {  	s0 =	sor.u32 s1, s0  }
0xc3: {  	s0 =	sadd.s32 $0x8F2B, s0  }
0xc4: {  	[sflag:s0] =	ssyncadd.remote.s32 $0x1  }
0xc5: {  	_ =	sfence.sel $0xFFFF  }
0xc6: {  	[dreg:$0x0] =	wrdreg $0xFFFFFFFF;
	(pc) =	sbr.abs _section_cstart, $3  }
0xc7: {  	[dreg:$0x1] =	wrdreg $0xFFFFFFFF  }
0xc8: {  	_ =	task.clear_ibuf [dreg:s7], $0x2FFFF;
	_ =	strace $0x9FFFFFFF  }
0xc9: {  	(tm) =	ssettm $0x7FFFFFFF  }
tec
execute0_lowered:
.L_overlay_start_1:
0x0: {  	(tag) =	ssettag $0x1  }
0x1: {  	s10 =	rddreg [dreg:$0x0]  }
0x2: {  	s20 =	rddreg [dreg:$0x1]  }
0x3: {  	s2 =	rddreg [dreg:$0x2];
	s1 =	stileid.u32  }
0x4: {  	s0 =	rddreg [dreg:$0x3];
	s3 =	simm.s32 $0x0;
	s21 =	smul.u32 $0x2780, s1  }
0x5: {  	s8 =	srdreg.scid;
	[smem:$0x7FF] =	sst s3;
	s4 =	sadd.s32 $0xB200, s10  }
0x6: {  	s5 =	sshll.u32 s1, $0x6;
	_ =	strace $0x80000047;
	s6 =	sadd.s32 s21, s2  }
0x7: {  	s5 =	sor.u32 $0x1C01, s5;
	s7 =	sshrl.u32 s6, $0x3;
	s6 =	simm.s32 $0x1  }
0x8: {  	[spmem:s7], [sflag:s5] =	dma.local [hbm:s4], $0x4F0  }
0x9: {  	s22 =	sand.u32 $0x1, s8;
	_ =	swait.ge [sflag:s6], $0x4F0  }
0xa: {  	s8 =	sadd.s32 $0xB800, s10;
	s9 =	sshll.u32 s22, $0x4;
	[sflag:s6] =	ssyncset.done $0x0  }
0xb: {  	s11 =	sor.u32 s1, s9;
	s9 =	simm.s32 $0x3E8;
	[sflag:s6] =	ssyncadd.s32 $0xFFFFFB10  }
0xc: {  	[tilespmem:s9], [sflag:$0x1] =	stream.linear.gather [hbm4b:s8+s3], $0x3E80, $0x38;
	[tilespmem:$0x69E8] =	vst v63  }
0xd: {  	s23 =	smul.u32 $0x2710, s11;
	_ =	swait.ge [sflag:s6], $0x3E80  }
0xe: {  	[sflag:s6] =	ssyncset.done $0x0  }
0xf: {  	s19 =	sadd.s32 $0x1400, s10;
	s28 =	sshrl.u32 s23, $0x3;
	[sflag:s6] =	ssyncadd.s32 $0xFFFFC180  }
0x10: {  	s10 =	sadd.s32 s19, s28;
	[bflag:$0x0] =	sbarrier.arrive $0xFFFF  }
0x11: {  	[tilespmem:s3], [sflag:$0x1] =	stream.linear.gather [hbm4b:s10+s3], $0x3E8, $0x38;
	[tilespmem:$0x69E8] =	vst v63  }
0x12: {  	_ =	swait.ge [sflag:s6], $0x3E8  }
0x13: {  	[sflag:s6] =	ssyncset.done $0x0  }
0x14: {  	[sflag:s6] =	ssyncadd.s32 $0xFFFFFC18  }
0x15: {  	[spmem:s2] =	stream.indirect.scatter.add.f32 [tilespmem:s9], [sflag:$0x1], $0x10, s3, s9, $0xb8;
	[tilespmem:$0x69E8] =	vst v63  }
0x16: {  	s11 =	sadd.s32 $0x3E8, s23;
	_ =	swait.ge [sflag:s6], $0x3E80  }
0x17: {  	s11 =	sshrl.u32 s11, $0x3;
	[sflag:s6] =	ssyncset.done $0x0  }
0x18: {  	s11 =	sadd.s32 s19, s11;
	[sflag:s6] =	ssyncadd.s32 $0xFFFFC180  }
0x19: {  	[tilespmem:s3], [sflag:$0x1] =	stream.linear.gather [hbm4b:s11+s3], $0x3E8, $0x38;
	[tilespmem:$0x69E8] =	vst v63  }
0x1a: {  	_ =	swait.ge [sflag:s6], $0x3E8  }
0x1b: {  	[sflag:s6] =	ssyncset.done $0x0  }
0x1c: {  	[sflag:s6] =	ssyncadd.s32 $0xFFFFFC18  }
0x1d: {  	[spmem:s2] =	stream.indirect.scatter.add.f32 [tilespmem:s9], [sflag:$0x1], $0x10, s3, s9, $0xb8;
	[tilespmem:$0x69E8] =	vst v63  }
0x1e: {  	_ =	swait.ge [sflag:s6], $0x3E80  }
0x1f: {  	[sflag:s6] =	ssyncset.done $0x0  }
0x20: {  	s12 =	sadd.s32 $0xFA, s10;
	[sflag:s6] =	ssyncadd.s32 $0xFFFFC180  }
0x21: {  	[tilespmem:s3], [sflag:$0x1] =	stream.linear.gather [hbm4b:s12+s3], $0x3E8, $0x38;
	[tilespmem:$0x69E8] =	vst v63  }
0x22: {  	_ =	swait.ge [sflag:s6], $0x3E8  }
0x23: {  	[sflag:s6] =	ssyncset.done $0x0  }
0x24: {  	[sflag:s6] =	ssyncadd.s32 $0xFFFFFC18  }
0x25: {  	[spmem:s2] =	stream.indirect.scatter.add.f32 [tilespmem:s9], [sflag:$0x1], $0x10, s3, s9, $0xb8;
	[tilespmem:$0x69E8] =	vst v63  }
0x26: {  	s13 =	sadd.s32 $0xBB8, s23;
	_ =	swait.ge [sflag:s6], $0x3E80  }
0x27: {  	s13 =	sshrl.u32 s13, $0x3;
	[sflag:s6] =	ssyncset.done $0x0  }
0x28: {  	s13 =	sadd.s32 s19, s13;
	[sflag:s6] =	ssyncadd.s32 $0xFFFFC180  }
0x29: {  	[tilespmem:s3], [sflag:$0x1] =	stream.linear.gather [hbm4b:s13+s3], $0x3E8, $0x38;
	[tilespmem:$0x69E8] =	vst v63  }
0x2a: {  	_ =	swait.ge [sflag:s6], $0x3E8  }
0x2b: {  	[sflag:s6] =	ssyncset.done $0x0  }
0x2c: {  	[sflag:s6] =	ssyncadd.s32 $0xFFFFFC18  }
0x2d: {  	[spmem:s2] =	stream.indirect.scatter.add.f32 [tilespmem:s9], [sflag:$0x1], $0x10, s3, s9, $0xb8;
	[tilespmem:$0x69E8] =	vst v63  }
0x2e: {  	_ =	swait.ge [sflag:s6], $0x3E80  }
0x2f: {  	[sflag:s6] =	ssyncset.done $0x0  }
0x30: {  	s14 =	sadd.s32 $0x1F4, s10;
	[sflag:s6] =	ssyncadd.s32 $0xFFFFC180  }
0x31: {  	[tilespmem:s3], [sflag:$0x1] =	stream.linear.gather [hbm4b:s14+s3], $0x3E8, $0x38;
	[tilespmem:$0x69E8] =	vst v63  }
0x32: {  	_ =	swait.ge [sflag:s6], $0x3E8  }
0x33: {  	[sflag:s6] =	ssyncset.done $0x0  }
0x34: {  	[sflag:s6] =	ssyncadd.s32 $0xFFFFFC18  }
0x35: {  	[spmem:s2] =	stream.indirect.scatter.add.f32 [tilespmem:s9], [sflag:$0x1], $0x10, s3, s9, $0xb8;
	[tilespmem:$0x69E8] =	vst v63  }
0x36: {  	s15 =	sadd.s32 $0x1388, s23;
	_ =	swait.ge [sflag:s6], $0x3E80  }
0x37: {  	s15 =	sshrl.u32 s15, $0x3;
	[sflag:s6] =	ssyncset.done $0x0  }
0x38: {  	s15 =	sadd.s32 s19, s15;
	[sflag:s6] =	ssyncadd.s32 $0xFFFFC180  }
0x39: {  	[tilespmem:s3], [sflag:$0x1] =	stream.linear.gather [hbm4b:s15+s3], $0x3E8, $0x38;
	[tilespmem:$0x69E8] =	vst v63  }
0x3a: {  	_ =	swait.ge [sflag:s6], $0x3E8  }
0x3b: {  	[sflag:s6] =	ssyncset.done $0x0  }
0x3c: {  	[sflag:s6] =	ssyncadd.s32 $0xFFFFFC18  }
0x3d: {  	[spmem:s2] =	stream.indirect.scatter.add.f32 [tilespmem:s9], [sflag:$0x1], $0x10, s3, s9, $0xb8;
	[tilespmem:$0x69E8] =	vst v63  }
0x3e: {  	_ =	swait.ge [sflag:s6], $0x3E80  }
0x3f: {  	[sflag:s6] =	ssyncset.done $0x0  }
0x40: {  	s16 =	sadd.s32 $0x2EE, s10;
	[sflag:s6] =	ssyncadd.s32 $0xFFFFC180  }
0x41: {  	[tilespmem:s3], [sflag:$0x1] =	stream.linear.gather [hbm4b:s16+s3], $0x3E8, $0x38;
	[tilespmem:$0x69E8] =	vst v63  }
0x42: {  	_ =	swait.ge [sflag:s6], $0x3E8  }
0x43: {  	[sflag:s6] =	ssyncset.done $0x0  }
0x44: {  	[sflag:s6] =	ssyncadd.s32 $0xFFFFFC18  }
0x45: {  	[spmem:s2] =	stream.indirect.scatter.add.f32 [tilespmem:s9], [sflag:$0x1], $0x10, s3, s9, $0xb8;
	[tilespmem:$0x69E8] =	vst v63  }
0x46: {  	s17 =	sadd.s32 $0x1B58, s23;
	_ =	swait.ge [sflag:s6], $0x3E80  }
0x47: {  	s17 =	sshrl.u32 s17, $0x3;
	[sflag:s6] =	ssyncset.done $0x0  }
0x48: {  	s17 =	sadd.s32 s19, s17;
	[sflag:s6] =	ssyncadd.s32 $0xFFFFC180  }
0x49: {  	[tilespmem:s3], [sflag:$0x1] =	stream.linear.gather [hbm4b:s17+s3], $0x3E8, $0x38;
	[tilespmem:$0x69E8] =	vst v63  }
0x4a: {  	_ =	swait.ge [sflag:s6], $0x3E8  }
0x4b: {  	[sflag:s6] =	ssyncset.done $0x0  }
0x4c: {  	[sflag:s6] =	ssyncadd.s32 $0xFFFFFC18  }
0x4d: {  	[spmem:s2] =	stream.indirect.scatter.add.f32 [tilespmem:s9], [sflag:$0x1], $0x10, s3, s9, $0xb8;
	[tilespmem:$0x69E8] =	vst v63  }
0x4e: {  	_ =	swait.ge [sflag:s6], $0x3E80  }
0x4f: {  	[sflag:s6] =	ssyncset.done $0x0  }
0x50: {  	s18 =	sadd.s32 $0x3E8, s10;
	[sflag:s6] =	ssyncadd.s32 $0xFFFFC180  }
0x51: {  	[tilespmem:s3], [sflag:$0x1] =	stream.linear.gather [hbm4b:s18+s3], $0x3E8, $0x38;
	[tilespmem:$0x69E8] =	vst v63  }
0x52: {  	_ =	swait.ge [sflag:s6], $0x3E8  }
0x53: {  	[sflag:s6] =	ssyncset.done $0x0  }
0x54: {  	[sflag:s6] =	ssyncadd.s32 $0xFFFFFC18  }
0x55: {  	[spmem:s2] =	stream.indirect.scatter.add.f32 [tilespmem:s9], [sflag:$0x1], $0x10, s3, s9, $0xb8;
	[tilespmem:$0x69E8] =	vst v63  }
0x56: {  	s23 =	sadd.s32 $0x2328, s23;
	_ =	swait.ge [sflag:s6], $0x3E80  }
0x57: {  	s23 =	sshrl.u32 s23, $0x3;
	[sflag:s6] =	ssyncset.done $0x0  }
0x58: {  	s19 =	sadd.s32 s19, s23;
	[sflag:s6] =	ssyncadd.s32 $0xFFFFC180  }
0x59: {  	[tilespmem:s3], [sflag:$0x1] =	stream.linear.gather [hbm4b:s19+s3], $0x3E8, $0x38;
	[tilespmem:$0x69E8] =	vst v63  }
0x5a: {  	s29 =	smul.u32 $0x27800, s22;
	s22 =	ssub.s32 $0x2, s22;
	_ =	swait.ge [sflag:s6], $0x3E8  }
0x5b: {  	s30 =	sshrl.u32 s22, $0x1;
	[sflag:s6] =	ssyncset.done $0x0  }
0x5c: {  	s22 =	ssub.s32 s22, s30;
	[sflag:s6] =	ssyncadd.s32 $0xFFFFFC18  }
0x5d: {  	[spmem:s2] =	stream.indirect.scatter.add.f32 [tilespmem:s9], [sflag:$0x1], $0x10, s3, s9, $0xb8;
	[tilespmem:$0x69E8] =	vst v63  }
0x5e: {  	s31 =	smax.u32 s22, $0x1;
	_ =	swait.ge [sflag:s6], $0x3E80  }
0x5f: {  	s21 =	sadd.s32 s21, s29;
	p0 =	sne.s32 s31, $0x1;
	[sflag:s6] =	ssyncset.done $0x0  }
.Ltmp0:
0x60: {  	s21 =	sshrl.u32 s21, $0x3;
	[sflag:s6] =	ssyncadd.s32 $0xFFFFC180;
	(pc) =	sbr.rel @!p0 .LBB2_2-.Ltmp0, $4  }
0x61: {  	s20 =	sadd.s32 s20, s21;
	[bflag:$0x0] =	sbarrier.arrive $0xFFFF  }
0x62: {  	[hbm:s20], [sflag:s5] =	dma.local [spmem:s7], $0x4F0  }
0x63: {  	_ =	swait.ge [sflag:s6], $0x4F0  }
0x64: {  	s21 =	sadd.s32 $0xFFFFFFFF, s31;
	[sflag:s6] =	ssyncset.done $0x0  }
.LBB2_1:
0x65: {  	p0 =	sne.s32 s21, $0x1;
	s21 =	sadd.s32 $0xFFFFFFFF, s21;
	[sflag:s6] =	ssyncadd.s32 $0xFFFFFB10  }
0x66: {  	[spmem:s7], [sflag:s5] =	dma.local [hbm:s4], $0x4F0  }
0x67: {  	_ =	swait.ge [sflag:s6], $0x4F0  }
0x68: {  	[sflag:s6] =	ssyncset.done $0x0  }
0x69: {  	[sflag:s6] =	ssyncadd.s32 $0xFFFFFB10  }
0x6a: {  	[tilespmem:s9], [sflag:$0x1] =	stream.linear.gather [hbm4b:s8+s3], $0x3E80, $0x38;
	[tilespmem:$0x69E8] =	vst v63  }
0x6b: {  	_ =	swait.ge [sflag:s6], $0x3E80  }
0x6c: {  	[sflag:s6] =	ssyncset.done $0x0  }
0x6d: {  	[sflag:s6] =	ssyncadd.s32 $0xFFFFC180  }
0x6e: {  	[bflag:$0x0] =	sbarrier.arrive $0xFFFF  }
0x6f: {  	[tilespmem:s3], [sflag:$0x1] =	stream.linear.gather [hbm4b:s10+s3], $0x3E8, $0x38;
	[tilespmem:$0x69E8] =	vst v63  }
0x70: {  	_ =	swait.ge [sflag:s6], $0x3E8  }
0x71: {  	[sflag:s6] =	ssyncset.done $0x0  }
0x72: {  	[sflag:s6] =	ssyncadd.s32 $0xFFFFFC18  }
0x73: {  	[spmem:s2] =	stream.indirect.scatter.add.f32 [tilespmem:s9], [sflag:$0x1], $0x10, s3, s9, $0xb8;
	[tilespmem:$0x69E8] =	vst v63  }
0x74: {  	_ =	swait.ge [sflag:s6], $0x3E80  }
0x75: {  	[sflag:s6] =	ssyncset.done $0x0  }
0x76: {  	[sflag:s6] =	ssyncadd.s32 $0xFFFFC180  }
0x77: {  	[tilespmem:s3], [sflag:$0x1] =	stream.linear.gather [hbm4b:s11+s3], $0x3E8, $0x38;
	[tilespmem:$0x69E8] =	vst v63  }
0x78: {  	_ =	swait.ge [sflag:s6], $0x3E8  }
0x79: {  	[sflag:s6] =	ssyncset.done $0x0  }
0x7a: {  	[sflag:s6] =	ssyncadd.s32 $0xFFFFFC18  }
0x7b: {  	[spmem:s2] =	stream.indirect.scatter.add.f32 [tilespmem:s9], [sflag:$0x1], $0x10, s3, s9, $0xb8;
	[tilespmem:$0x69E8] =	vst v63  }
0x7c: {  	_ =	swait.ge [sflag:s6], $0x3E80  }
0x7d: {  	[sflag:s6] =	ssyncset.done $0x0  }
0x7e: {  	[sflag:s6] =	ssyncadd.s32 $0xFFFFC180  }
0x7f: {  	[tilespmem:s3], [sflag:$0x1] =	stream.linear.gather [hbm4b:s12+s3], $0x3E8, $0x38;
	[tilespmem:$0x69E8] =	vst v63  }
0x80: {  	_ =	swait.ge [sflag:s6], $0x3E8  }
0x81: {  	[sflag:s6] =	ssyncset.done $0x0  }
0x82: {  	[sflag:s6] =	ssyncadd.s32 $0xFFFFFC18  }
0x83: {  	[spmem:s2] =	stream.indirect.scatter.add.f32 [tilespmem:s9], [sflag:$0x1], $0x10, s3, s9, $0xb8;
	[tilespmem:$0x69E8] =	vst v63  }
0x84: {  	_ =	swait.ge [sflag:s6], $0x3E80  }
0x85: {  	[sflag:s6] =	ssyncset.done $0x0  }
0x86: {  	[sflag:s6] =	ssyncadd.s32 $0xFFFFC180  }
0x87: {  	[tilespmem:s3], [sflag:$0x1] =	stream.linear.gather [hbm4b:s13+s3], $0x3E8, $0x38;
	[tilespmem:$0x69E8] =	vst v63  }
0x88: {  	_ =	swait.ge [sflag:s6], $0x3E8  }
0x89: {  	[sflag:s6] =	ssyncset.done $0x0  }
0x8a: {  	[sflag:s6] =	ssyncadd.s32 $0xFFFFFC18  }
0x8b: {  	[spmem:s2] =	stream.indirect.scatter.add.f32 [tilespmem:s9], [sflag:$0x1], $0x10, s3, s9, $0xb8;
	[tilespmem:$0x69E8] =	vst v63  }
0x8c: {  	_ =	swait.ge [sflag:s6], $0x3E80  }
0x8d: {  	[sflag:s6] =	ssyncset.done $0x0  }
0x8e: {  	[sflag:s6] =	ssyncadd.s32 $0xFFFFC180  }
0x8f: {  	[tilespmem:s3], [sflag:$0x1] =	stream.linear.gather [hbm4b:s14+s3], $0x3E8, $0x38;
	[tilespmem:$0x69E8] =	vst v63  }
0x90: {  	_ =	swait.ge [sflag:s6], $0x3E8  }
0x91: {  	[sflag:s6] =	ssyncset.done $0x0  }
0x92: {  	[sflag:s6] =	ssyncadd.s32 $0xFFFFFC18  }
0x93: {  	[spmem:s2] =	stream.indirect.scatter.add.f32 [tilespmem:s9], [sflag:$0x1], $0x10, s3, s9, $0xb8;
	[tilespmem:$0x69E8] =	vst v63  }
0x94: {  	_ =	swait.ge [sflag:s6], $0x3E80  }
0x95: {  	[sflag:s6] =	ssyncset.done $0x0  }
0x96: {  	[sflag:s6] =	ssyncadd.s32 $0xFFFFC180  }
0x97: {  	[tilespmem:s3], [sflag:$0x1] =	stream.linear.gather [hbm4b:s15+s3], $0x3E8, $0x38;
	[tilespmem:$0x69E8] =	vst v63  }
0x98: {  	_ =	swait.ge [sflag:s6], $0x3E8  }
0x99: {  	[sflag:s6] =	ssyncset.done $0x0  }
0x9a: {  	[sflag:s6] =	ssyncadd.s32 $0xFFFFFC18  }
0x9b: {  	[spmem:s2] =	stream.indirect.scatter.add.f32 [tilespmem:s9], [sflag:$0x1], $0x10, s3, s9, $0xb8;
	[tilespmem:$0x69E8] =	vst v63  }
0x9c: {  	_ =	swait.ge [sflag:s6], $0x3E80  }
0x9d: {  	[sflag:s6] =	ssyncset.done $0x0  }
0x9e: {  	[sflag:s6] =	ssyncadd.s32 $0xFFFFC180  }
0x9f: {  	[tilespmem:s3], [sflag:$0x1] =	stream.linear.gather [hbm4b:s16+s3], $0x3E8, $0x38;
	[tilespmem:$0x69E8] =	vst v63  }
0xa0: {  	_ =	swait.ge [sflag:s6], $0x3E8  }
0xa1: {  	[sflag:s6] =	ssyncset.done $0x0  }
0xa2: {  	[sflag:s6] =	ssyncadd.s32 $0xFFFFFC18  }
0xa3: {  	[spmem:s2] =	stream.indirect.scatter.add.f32 [tilespmem:s9], [sflag:$0x1], $0x10, s3, s9, $0xb8;
	[tilespmem:$0x69E8] =	vst v63  }
0xa4: {  	_ =	swait.ge [sflag:s6], $0x3E80  }
0xa5: {  	[sflag:s6] =	ssyncset.done $0x0  }
0xa6: {  	[sflag:s6] =	ssyncadd.s32 $0xFFFFC180  }
0xa7: {  	[tilespmem:s3], [sflag:$0x1] =	stream.linear.gather [hbm4b:s17+s3], $0x3E8, $0x38;
	[tilespmem:$0x69E8] =	vst v63  }
0xa8: {  	_ =	swait.ge [sflag:s6], $0x3E8  }
0xa9: {  	[sflag:s6] =	ssyncset.done $0x0  }
0xaa: {  	[sflag:s6] =	ssyncadd.s32 $0xFFFFFC18  }
0xab: {  	[spmem:s2] =	stream.indirect.scatter.add.f32 [tilespmem:s9], [sflag:$0x1], $0x10, s3, s9, $0xb8;
	[tilespmem:$0x69E8] =	vst v63  }
0xac: {  	_ =	swait.ge [sflag:s6], $0x3E80  }
0xad: {  	[sflag:s6] =	ssyncset.done $0x0  }
0xae: {  	[sflag:s6] =	ssyncadd.s32 $0xFFFFC180  }
0xaf: {  	[tilespmem:s3], [sflag:$0x1] =	stream.linear.gather [hbm4b:s18+s3], $0x3E8, $0x38;
	[tilespmem:$0x69E8] =	vst v63  }
0xb0: {  	_ =	swait.ge [sflag:s6], $0x3E8  }
0xb1: {  	[sflag:s6] =	ssyncset.done $0x0  }
0xb2: {  	[sflag:s6] =	ssyncadd.s32 $0xFFFFFC18  }
0xb3: {  	[spmem:s2] =	stream.indirect.scatter.add.f32 [tilespmem:s9], [sflag:$0x1], $0x10, s3, s9, $0xb8;
	[tilespmem:$0x69E8] =	vst v63  }
0xb4: {  	_ =	swait.ge [sflag:s6], $0x3E80  }
0xb5: {  	[sflag:s6] =	ssyncset.done $0x0  }
0xb6: {  	[sflag:s6] =	ssyncadd.s32 $0xFFFFC180  }
0xb7: {  	[tilespmem:s3], [sflag:$0x1] =	stream.linear.gather [hbm4b:s19+s3], $0x3E8, $0x38;
	[tilespmem:$0x69E8] =	vst v63  }
0xb8: {  	_ =	swait.ge [sflag:s6], $0x3E8  }
0xb9: {  	[sflag:s6] =	ssyncset.done $0x0  }
0xba: {  	[sflag:s6] =	ssyncadd.s32 $0xFFFFFC18  }
0xbb: {  	[spmem:s2] =	stream.indirect.scatter.add.f32 [tilespmem:s9], [sflag:$0x1], $0x10, s3, s9, $0xb8;
	[tilespmem:$0x69E8] =	vst v63  }
0xbc: {  	_ =	swait.ge [sflag:s6], $0x3E80  }
0xbd: {  	[sflag:s6] =	ssyncset.done $0x0  }
.Ltmp1:
0xbe: {  	[sflag:s6] =	ssyncadd.s32 $0xFFFFC180;
	(pc) =	sbr.rel @p0 .LBB2_1-.Ltmp1, $4  }
0xbf: {  	[bflag:$0x0] =	sbarrier.arrive $0xFFFF  }
0xc0: {  	[hbm:s20], [sflag:s5] =	dma.local [spmem:s7], $0x4F0  }
0xc1: {  	_ =	swait.ge [sflag:s6], $0x4F0  }
0xc2: {  	[sflag:s6] =	ssyncset.done $0x0  }
.LBB2_2:
0xc3: {  	[sflag:s6] =	ssyncadd.s32 $0xFFFFFB10  }
0xc4: {  	_ =	sfence.sel $0x180000  }
0xc5: {  	[bflag:$0x0] =	sbarrier.arrive $0xFFFF  }
0xc6: {  	p0 =	sne.s32 s1, $0x0;
	_ =	strace $0x90000047  }
0xc7: {  	s0 =	sadd.s32 @!p0 $0x100000, s0;
	[bflag:$0x2] =	sbarrier.arrive $0xFFFF  }
0xc8: {  	[sflag:s0] =	ssyncadd.tile.s32 @!p0 $0x1;
	_ =	shalt  }
.Lfunc_end2:
_tile_overlayer_lowered:
.L_overlay_start_2:
0xc9: {  	(tag) =	ssettag $0x2  }
0xca: {  	s0 =	rddreg [dreg:$0x0];
	s2 =	stileid.u32  }
0xcb: {  	s1 =	rddreg [dreg:$0x1];
	p0 =	sne.s32 s2, $0x0  }
0xcc: {  	s3 =	rddreg [dreg:$0x2];
	[bflag:$0x3] =	sbarrier.arrive $0xFFFF;
	s2 =	simm.s32 @!p0 $0x1C01  }
0xcd: {  	[timem:s3], [sflag:s2] =	dma.local @!p0 [hbm:s0], s1  }
0xce: {  	s0 =	simm.s32 @!p0 $0x1  }
0xcf: {  	_ =	swait.ge @!p0 [sflag:s0], s1  }
0xd0: {  	s1 =	ssub.s32 @!p0 $0x0, s1;
	[sflag:s0] =	ssyncset.done @!p0 $0x0  }
0xd1: {  	[sflag:s0] =	ssyncadd.s32 @!p0 s1  }
0xd2: {  	[bflag:$0x3] =	sbarrier.arrive $0xFFFF  }
0xd3: {  	_ =	shalt  }

// kernel: kernel.9.cloned.1.call-start
scs
__scs_entry_jumppad:
0x0: {  	(pc) =	sbr.rel $0x88, $3  }
0x1: {  	(tag) =	ssettag $0x0;
	lr =	simm.s32 $0x1  }
0x2: {  	[smem:$0x3F97] =	sst lr;
	_ =	strace $0xD0000000  }
0x3: {  	_ = 	snop  }
0x4: {  	_ = 	snop  }
0x5: {  	_ = 	snop  }
0x6: {  	_ = 	snop  }
0x7: {  	_ = 	snop  }
__scs_overlays_trampoline_lowered:
0x8: {  	[smem:$0x3FA6] =	sst s0  }
0x9: {  	[smem:$0x3FA7] =	sst s1  }
0xa: {  	[smem:$0x3FA8] =	sst s2  }
0xb: {  	[smem:$0x3FA9] =	sst s3  }
0xc: {  	[smem:$0x3FAA] =	sst s4  }
0xd: {  	[smem:$0x3FAB] =	sst s5  }
0xe: {  	[smem:$0x3FAC] =	sst s6  }
0xf: {  	[smem:$0x3FAD] =	sst s7  }
0x10: {  	[smem:$0x3FAE] =	sst s8  }
0x11: {  	[smem:$0x3FAF] =	sst s9;
	s0 =	simm.s32 @!p0 $0x0  }
0x12: {  	s1 =	sld [smem:$0x3F95];
	s0 =	simm.s32 @p0 $0x1  }
0x13: {  	[smem:$0x3FB0] =	sst s0;
	s0 =	simm.s32 @!p1 $0x0  }
0x14: {  	s2 =	sld [smem:$0x3F94];
	s0 =	simm.s32 @p1 $0x1  }
0x15: {  	[smem:$0x3FB1] =	sst s0;
	s0 =	simm.s32 @!p2 $0x0  }
0x16: {  	s3 =	sld [smem:$0x3FDB];
	s0 =	simm.s32 @p2 $0x1  }
0x17: {  	s4 =	simm.s32 $0x1BF5;
	[smem:$0x3FB3] =	sst s0  }
0x18: {  	s0 =	sld [smem:$0x3F96];
	_ =	swait.ge [sflag:s4], $0x0  }
0x19: {  	s7 =	sld [smem:$0x3F97]  }
0x1a: {  	s8 =	sadd.s32 $0xFFFFE003, lr  }
0x1b: {  	s9 =	sadd.s32 $0xFFFFFEF7, lr;
	s5 =	simm.s32 $0xFFFFFFFF;
	p2 =	slt.u32 s8, $0xFFFFF086  }
0x1c: {  	p1 =	slt.u32 s9, $0xF7A;
	s5 =	simm.s32 @!p2 $0x0  }
0x1d: {  	s5 =	simm.s32 @p1 $0x1;
	p0 =	seq.s32 s7, s2  }
0x1e: {  	s7 =	smul.u32 @!p0 $0xF7A, s2;
	p2 =	seq.s32 @!p0 s5, $0x0  }
0x1f: {  	s9 =	smul.u32 $0xF7A, s1;
	s8 =	simm.s32 @!p0 $0x1BF5;
	p2 =	por !p2, p0  }
0x20: {  	[sflag:s8] =	ssyncset.s32 @!p0 $0xFFFFF086;
	s6 =	sadd.s32 @!p0 s3, s7;
	s7 =	simm.s32 @!p0 $0x108  }
0x21: {  	s3 =	sadd.s32 s3, s9;
	s6 =	sadd.s32 @!p0 $0x88, s6;
	s7 =	simm.s32 @p2 $0x1082  }
0x22: {  	[simem:s7], [sflag:s8] =	dma.local @!p0 [hbm:s6], $0xF7A  }
0x23: {  	s9 =	sor.u32 $0xD0000000, s2;
	s6 =	simm.s32 $0x108;
	_ =	swait.ge @!p0 [sflag:s8], $0x0  }
0x24: {  	s3 =	sadd.s32 $0x88, s3;
	s6 =	simm.s32 @!p1 $0x1082;
	[sflag:s4] =	ssyncset.s32 $0xFFFFF086  }
0x25: {  	[simem:s6], [sflag:s4] =	dma.local [hbm:s3], $0xF7A  }
0x26: {  	[smem:$0x3F97] =	sst s1;
	(tag) =	ssettag s2;
	_ =	strace s9  }
0x27: {  	s1 =	sld [smem:$0x3FA7]  }
0x28: {  	s2 =	sld [smem:$0x3FA8]  }
0x29: {  	s4 =	sld [smem:$0x3FAA]  }
0x2a: {  	p0 =	seq.s32 s5, $0x0;
	s5 =	sld [smem:$0x3FAB]  }
0x2b: {  	s6 =	sld [smem:$0x3FAC]  }
0x2c: {  	s7 =	sld [smem:$0x3FAD]  }
0x2d: {  	s3 =	simm.s32 $0x108;
	s8 =	sld [smem:$0x3FAE]  }
0x2e: {  	s3 =	simm.s32 @!p0 $0x1082;
	s9 =	sld [smem:$0x3FAF]  }
0x2f: {  	lr =	sadd.s32 s0, s3;
	s0 =	sld [smem:$0x3FA6]  }
0x30: {  	s3 =	sld [smem:$0x3FA9]  }
0x31: {  	[smem:$0x3FB2] =	sst s10  }
0x32: {  	s10 =	sld [smem:$0x3FB0];
	_ =	sdelay $0x3  }
0x33: {  	p0 =	seq.s32 s10, $0x1;
	s10 =	sld [smem:$0x3FB2];
	_ =	sdelay $0x3  }
0x34: {  	[smem:$0x3FB2] =	sst s10  }
0x35: {  	s10 =	sld [smem:$0x3FB1];
	_ =	sdelay $0x3  }
0x36: {  	p1 =	seq.s32 s10, $0x1;
	s10 =	sld [smem:$0x3FB2];
	_ =	sdelay $0x3  }
0x37: {  	[smem:$0x3FB2] =	sst s10  }
0x38: {  	s10 =	sld [smem:$0x3FB3]  }
0x39: {  	_ = 	snop;
	(pc) =	sbr.ind lr, $3  }
0x3a: {  	_ = 	snop  }
0x3b: {  	_ = 	snop  }
0x3c: {  	p2 =	seq.s32 s10, $0x1;
	s10 =	sld [smem:$0x3FB2]  }
0x3d: {  	_ =	shalt  }
0x3e: {  	_ =	shalt  }
0x3f: {  	_ =	shalt  }
0x40: {  	_ =	shalt  }
0x41: {  	_ =	shalt  }
0x42: {  	_ =	shalt  }
0x43: {  	_ =	shalt  }
0x44: {  	_ =	shalt  }
0x45: {  	_ =	shalt  }
0x46: {  	_ =	shalt  }
0x47: {  	_ =	shalt  }
0x48: {  	_ =	shalt  }
0x49: {  	_ =	shalt  }
0x4a: {  	_ =	shalt  }
0x4b: {  	_ =	shalt  }
0x4c: {  	_ =	shalt  }
0x4d: {  	_ =	shalt  }
0x4e: {  	_ =	shalt  }
0x4f: {  	_ =	shalt  }
0x50: {  	_ =	shalt  }
0x51: {  	_ =	shalt  }
0x52: {  	_ =	shalt  }
0x53: {  	_ =	shalt  }
0x54: {  	_ =	shalt  }
0x55: {  	_ =	shalt  }
0x56: {  	_ =	shalt  }
0x57: {  	_ =	shalt  }
0x58: {  	_ =	shalt  }
0x59: {  	_ =	shalt  }
0x5a: {  	_ =	shalt  }
0x5b: {  	_ =	shalt  }
0x5c: {  	_ =	shalt  }
0x5d: {  	_ =	shalt  }
0x5e: {  	_ =	shalt  }
0x5f: {  	_ =	shalt  }
0x60: {  	_ =	shalt  }
0x61: {  	_ =	shalt  }
0x62: {  	_ =	shalt  }
0x63: {  	_ =	shalt  }
0x64: {  	_ =	shalt  }
0x65: {  	_ =	shalt  }
0x66: {  	_ =	shalt  }
0x67: {  	_ =	shalt  }
0x68: {  	_ =	shalt  }
0x69: {  	_ =	shalt  }
0x6a: {  	_ =	shalt  }
0x6b: {  	_ =	shalt  }
0x6c: {  	_ =	shalt  }
0x6d: {  	_ =	shalt  }
0x6e: {  	_ =	shalt  }
0x6f: {  	_ =	shalt  }
0x70: {  	_ =	shalt  }
0x71: {  	_ =	shalt  }
0x72: {  	_ =	shalt  }
0x73: {  	_ =	shalt  }
0x74: {  	_ =	shalt  }
0x75: {  	_ =	shalt  }
0x76: {  	_ =	shalt  }
0x77: {  	_ =	shalt  }
0x78: {  	_ =	shalt  }
0x79: {  	_ =	shalt  }
0x7a: {  	_ =	shalt  }
0x7b: {  	_ =	shalt  }
0x7c: {  	_ =	shalt  }
0x7d: {  	_ =	shalt  }
0x7e: {  	_ =	shalt  }
0x7f: {  	_ =	shalt  }
0x80: {  	_ =	shalt  }
0x81: {  	_ =	shalt  }
0x82: {  	_ =	shalt  }
0x83: {  	_ =	shalt  }
0x84: {  	_ =	shalt  }
0x85: {  	_ =	shalt  }
0x86: {  	_ =	shalt  }
0x87: {  	_ =	shalt  }
.Lfunc_end0:
.L_simem_size_0:
called_computation.1_lowered:
.L_overlay_start_0:
0x88: {  	s2 =	sld [smem:$0x3FD9]  }
0x89: {  	s3 =	sld [smem:$0x3FFE];
	_ =	sdelay $0x1  }
0x8a: {  	s1 =	srdreg.scid  }
0x8b: {  	s0 =	sand.u32 $0x1, s1  }
0x8c: {  	s14 =	sshll.u32 s0, $0xA;
	s2 =	sadd.s32 s3, s2  }
0x8d: {  	s2 =	sadd.s32 s2, s14  }
0x8e: {  	[smem:$0x3FBE] =	sst s2  }
0x8f: {  	_ = 	snop  }
0x90: {  	s2 =	sld [smem:$0x3FD0];
	_ =	sdelay $0x2  }
0x91: {  	s15 =	simm.s32 $0xA;
	s4 =	simm.s32 $0x10  }
0x92: {  	[smem:s4], [sflag:s15] =	dma.local [hbm:s2], $0x1  }
0x93: {  	_ =	swait.eq [sflag:s15], $0x1  }
0x94: {  	[sflag:s15] =	ssyncset.done $0x0  }
0x95: {  	[sflag:s15] =	ssyncadd.s32 $0xFFFFFFFF  }
0x96: {  	s16 =	sld [smem:$0x11];
	(tm) =	ssettm $0x1  }
0x97: {  	s17 =	sld [smem:$0x3FFB];
	_ =	sdelay $0x3  }
0x98: {  	_ =	strace s17  }
0x99: {  	s3 =	sld [smem:$0x3FFC];
	_ =	sdelay $0x3  }
0x9a: {  	_ =	strace s3  }
0x9b: {  	s3 =	sld [smem:$0x3FFD];
	_ =	sdelay $0x3  }
0x9c: {  	_ =	strace s3  }
0x9d: {  	_ =	strace $0x8FFFFFFF  }
0x9e: {  	s18 =	sld [smem:$0x3FDB];
	_ =	sdelay $0x1  }
0x9f: {  	s19 =	simm.s32 $_scs_section_size  }
0xa0: {  	s5 =	simm.s32 $_size__tile_overlayer_lowered;
	s6 =	simm.s32 $_tile_overlayer_lowered  }
0xa1: {  	s22 =	simm.s32 $0x1BFF;
	s21 =	sshll.u32 s6, $0x1;
	s3 =	sadd.s32 s19, s18  }
0xa2: {  	s7 =	simm.s32 $0x0;
	s20 =	sshll.u32 s5, $0x1;
	s5 =	sadd.s32 s21, s3  }
0xa3: {  	[timem:s7], [sflag:s22] =	dma.local [hbm:s5], s20  }
0xa4: {  	_ =	swait.ge [sflag:s22], s20  }
0xa5: {  	s4 =	ssub.s32 $0x0, s20;
	[sflag:s22] =	ssyncset.done $0x0  }
0xa6: {  	[sflag:s22] =	ssyncadd.s32 s4;
	_ =	sdelay $0x1  }
0xa7: {  	s23 =	simm.s32 $0x1B8B  }
0xa8: {  	_ =	swait.ge [sflag:s23], $0x1  }
0xa9: {  	[sflag:s23] =	ssyncset.done $0x0  }
0xaa: {  	s25 =	simm.s32 $0x1B8E;
	s24 =	sld [smem:$0x3FFE];
	[sflag:s23] =	ssyncadd.s32 $0xFFFFFFFF  }
0xab: {  	s26 =	simm.s32 $execute0_lowered;
	[smem:$0x3FD2] =	sst s25  }
0xac: {  	s5 =	sshll.u32 s26, $0x1;
	_ =	strace $0x80000049;
	[dreg:$0x1] =	wrdreg $0xFFFFFFFF  }
0xad: {  	s28 =	simm.s32 $_size_execute0_lowered;
	s3 =	sadd.s32 s3, s5;
	[dreg:$0x0] =	wrdreg $0x0  }
0xae: {  	s5 =	sshll.u32 s28, $0x1;
	[dreg:$0x2] =	wrdreg s3  }
0xaf: {  	[dreg:$0x3] =	wrdreg s5  }
0xb0: {  	[dreg:$0x4] =	wrdreg $0xC0  }
0xb1: {  	_ =	task [dreg:s7], $0x5FFFF  }
0xb2: {  	[dreg:$0x1] =	wrdreg $0xFFFFFFFF  }
0xb3: {  	[dreg:$0x0] =	wrdreg $0x60  }
0xb4: {  	[dreg:$0x2] =	wrdreg s16  }
0xb5: {  	[dreg:$0x3] =	wrdreg s24  }
0xb6: {  	[dreg:$0x4] =	wrdreg $0x0  }
0xb7: {  	[dreg:$0x5] =	wrdreg $0x9  }
0xb8: {  	_ =	task.clear_ibuf [dreg:s7], $0x6FFFF;
	_ =	strace $0x90000049  }
0xb9: {  	s29 =	simm.s32 $0x9;
	_ =	strace $0x8000004B  }
0xba: {  	_ =	swait.ge [sflag:s29], $0x1  }
0xbb: {  	[sflag:s29] =	ssyncadd.s32 $0xFFFFFFFF  }
0xbc: {  	_ =	strace $0x9000004B  }
0xbd: {  	_ =	sfence  }
0xbe: {  	s30 =	sld [smem:$0x0];
	_ =	sdelay $0x2  }
0xbf: {  	s31 =	sshll.u32 s1, $0xD;
	s1 =	sshrl.u32 s1, $0x2  }
0xc0: {  	s3 =	sand.u32 $0x4000, s31;
	s1 =	sadd.s32 s1, s30  }
0xc1: {  	s0 =	sor.u32 s3, s0;
	s1 =	sshll.u32 s1, $0x11  }
0xc2: {  	s0 =	sor.u32 s1, s0  }
0xc3: {  	s0 =	sadd.s32 $0x8F2B, s0  }
0xc4: {  	[sflag:s0] =	ssyncadd.remote.s32 $0x1  }
0xc5: {  	_ =	sfence.sel $0xFFFF  }
0xc6: {  	[dreg:$0x0] =	wrdreg $0xFFFFFFFF;
	(pc) =	sbr.abs _section_cstart, $3  }
0xc7: {  	[dreg:$0x1] =	wrdreg $0xFFFFFFFF  }
0xc8: {  	_ =	task.clear_ibuf [dreg:s7], $0x2FFFF;
	_ =	strace $0x9FFFFFFF  }
0xc9: {  	(tm) =	ssettm $0x7FFFFFFF  }
tec
execute0_lowered:
.L_overlay_start_1:
0x0: {  	(tag) =	ssettag $0x1  }
0x1: {  	s10 =	rddreg [dreg:$0x0]  }
0x2: {  	s0 =	rddreg [dreg:$0x1]  }
0x3: {  	s2 =	rddreg [dreg:$0x2];
	s3 =	simm.s32 $0x0  }
0x4: {  	s1 =	srdreg.scid;
	s17 =	stileid.u32;
	s28 =	simm.s32 $0x189C0  }
0x5: {  	s29 =	simm.s32 $0x1C520;
	s30 =	simm.s32 $0x1;
	s31 =	simm.s32 $0x18E70  }
0x6: {  	[smem:$0x7FF] =	sst s3;
	s1 =	sand.u32 $0x1, s1;
	s6 =	smul.u32 $0x18700, s17  }
0x7: {  	s16 =	sadd.s32 $0x6DC00, s0;
	s7 =	sadd.s32 $0xC000, s0;
	s9 =	smul.u32 $0x30D40, s17  }
0x8: {  	s8 =	sadd.s32 $0x9EA00, s0;
	s19 =	smul.u32 $0x61C00, s17;
	s13 =	sadd.s32 $0x16E900, s2  }
0x9: {  	s0 =	sadd.s32 $0x9B920, s0;
	s22 =	sadd.s32 $0x2DD20, s10;
	s25 =	smul.u32 $0x61A8, s17  }
0xa: {  	p5 =	seq.s32 s17, $0xF;
	_ =	strace $0x8000004A;
	[dreg:$0x6] =	wrdreg s0  }
0xb: {  	s4 =	ssub.s32 $0x2, s1;
	p1 =	seq.s32 s1, $0x0;
	[dreg:$0x8] =	wrdreg s22  }
0xc: {  	s20 =	sshll.u32 s1, $0x5;
	s24 =	sshll.u32 s1, $0x2;
	[dreg:$0x4] =	wrdreg s16  }
0xd: {  	p0 =	sne.s32 s1, $0x0;
	s22 =	simm.s32 $0x186A0;
	s5 =	sshrl.u32 s4, $0x1  }
0xe: {  	s15 =	sshrl.u32 s6, $0x3;
	s11 =	sadd.s32 s6, s2;
	s21 =	sshrl.u32 s9, $0x3  }
0xf: {  	s0 =	sor.u32 s20, s19;
	s23 =	sshrl.u32 s19, $0x2;
	s26 =	sadd.s32 s25, s7  }
0x10: {  	p2 =	seq.s32 @p0 s17, $0xF;
	p4 =	seq.s32 @!p0 s17, $0xF;
	s9 =	simm.s32 $0x4  }
0x11: {  	s6 =	simm.s32 $0x18CE0;
	s4 =	ssub.s32 s4, s5;
	s18 =	sadd.s32 s16, s15  }
0x12: {  	s5 =	sadd.s32 s10, s15;
	s0 =	sshrl.u32 s0, $0x3;
	s16 =	smov.u32 @p1 s10  }
0x13: {  	s1 =	sadd.s32 $0xC8, s26;
	p1 =	por !p2, !p0;
	p2 =	por p2, !p0  }
0x14: {  	s12 =	smov.u32 s11;
	p3 =	por !p4, p0;
	p4 =	por p4, p0  }
0x15: {  	s26 =	simm.s32 $0x19320;
	s10 =	simm.s32 $0x18B50;
	[dreg:$0x5] =	wrdreg s18  }
0x16: {  	[dreg:$0x7] =	wrdreg s5;
	s5 =	sadd.s32 s7, s21;
	s0 =	sadd.s32 s8, s0  }
0x17: {  	s4 =	smax.u32 s4, $0x1;
	[dreg:$0xd] =	wrdreg s1;
	s1 =	sshrl.u32 @!p1 s13, $0x3  }
0x18: {  	s20 =	sshrl.u32 @!p2 s11, $0x3;
	s18 =	smov.u32 s13;
	[dreg:$0x9] =	wrdreg s5  }
0x19: {  	s21 =	sshrl.u32 @!p3 s13, $0x3;
	s7 =	simm.s32 $0x3;
	[dreg:$0xa] =	wrdreg s0  }
0x1a: {  	s11 =	simm.s32 $0x19000;
	s0 =	sadd.s32 s23, s2;
	[dreg:$0xc] =	wrdreg s4  }
.Ltmp0:
0x1b: {  	s5 =	sadd.s32 s24, s8;
	[dreg:$0xe] =	wrdreg s1;
	(pc) =	sbr.rel .LBB2_1-.Ltmp0, $4  }
0x1c: {  	s1 =	sshll.u32 @!p2 s17, $0x6;
	s23 =	simm.s32 $0x5;
	s24 =	simm.s32 $0x190  }
0x1d: {  	s4 =	simm.s32 $0x0;
	s5 =	sadd.s32 $0xB7480, s5;
	s1 =	sor.u32 @!p2 $0x1C05, s1  }
0x1e: {  	s25 =	sshrl.u32 @!p5 s0, $0x3;
	s0 =	simm.s32 $0x2;
	[dreg:$0xb] =	wrdreg s5  }
0x1f: {  	[dreg:$0xf] =	wrdreg s1;
	s1 =	simm.s32 $0x19190;
	s5 =	simm.s32 $0x18830  }
.LBB2_8:
0x20: {  	_ =	swait.ge [sflag:s7], $0x3200  }
0x21: {  	[sflag:s7] =	ssyncset.done $0x0  }
0x22: {  	[sflag:s7] =	ssyncadd.s32 $0xFFFFCE00  }
0x23: {  	_ =	swait.ge [sflag:s9], $0x3200  }
0x24: {  	[sflag:s9] =	ssyncset.done $0x0  }
0x25: {  	[sflag:s9] =	ssyncadd.s32 $0xFFFFCE00  }
.LBB2_9:
0x26: {  	[bflag:$0x0] =	sbarrier.arrive $0xFFFF  }
0x27: {  	s8 =	sshrl.u32 @p5 s18, $0x3;
	s13 =	simm.s32 @p5 $0x1;
	s17 =	simm.s32 @p5 $0x10  }
0x28: {  	s14 =	simm.s32 @p5 $0x4;
	s15 =	simm.s32 @p5 $0x1FC5;
	s19 =	rddreg [dreg:$0xb]  }
0x29: {  	[hbm:s19@s17], [sflag:s15] =	dma.strided @p5 [spmem:s8@s14], $0x3020, s13, $0x4   }
0x2a: {  	s8 =	simm.s32 @p5 $0x5;
	s17 =	stileid.u32  }
0x2b: {  	s14 =	simm.s32 @!p5 $0x10;
	s15 =	simm.s32 @!p5 $0x4;
	_ =	swait.ge @p5 [sflag:s8], $0x3020  }
0x2c: {  	s13 =	sshll.u32 @!p5 s17, $0x6;
	[sflag:s8] =	ssyncset.done @p5 $0x0;
	s19 =	rddreg [dreg:$0xa]  }
0x2d: {  	[sflag:s8] =	ssyncadd.s32 @p5 $0xFFFFCFE0;
	s8 =	sor.u32 @!p5 $0x1C05, s13;
	s13 =	simm.s32 @!p5 $0x1  }
0x2e: {  	[hbm:s19@s14], [sflag:s8] =	dma.strided @!p5 [spmem:s25@s15], $0x30E0, s13, $0x4   }
0x2f: {  	s8 =	simm.s32 @!p5 $0x5  }
0x30: {  	_ =	swait.ge @!p5 [sflag:s8], $0x30E0  }
0x31: {  	s4 =	sadd.s32 $0x1, s4;
	s19 =	rddreg [dreg:$0xc]  }
0x32: {  	p6 =	sne.s32 s4, s19  }
.Ltmp1:
0x33: {  	_ = 	snop;
	(pc) =	sbr.rel @!p6 .LBB2_10-.Ltmp1, $3  }
0x34: {  	_ =	sdelay $0x1  }
0x35: {  	[sflag:s8] =	ssyncset.done @!p5 $0x0  }
0x36: {  	[sflag:s8] =	ssyncadd.s32 @!p5 $0xFFFFCF20  }
.LBB2_1:
0x37: {  	s13 =	rddreg [dreg:$0x6]  }
0x38: {  	s8 =	simm.s32 @!p1 $0x1FC5;
	s14 =	rddreg [dreg:$0xe]  }
0x39: {  	[spmem:s14], [sflag:s8] =	dma.local @!p1 [hbm:s13], $0x3020  }
0x3a: {  	s8 =	simm.s32 @!p1 $0x5  }
0x3b: {  	_ =	swait.ge @!p1 [sflag:s8], $0x3020  }
0x3c: {  	[sflag:s8] =	ssyncset.done @!p1 $0x0;
	s13 =	rddreg [dreg:$0xf]  }
0x3d: {  	[sflag:s8] =	ssyncadd.s32 @!p1 $0xFFFFCFE0;
	s8 =	rddreg [dreg:$0x5]  }
0x3e: {  	[spmem:s20], [sflag:s13] =	dma.local @!p2 [hbm:s8], $0x30E0  }
0x3f: {  	s8 =	simm.s32 @!p2 $0x5  }
0x40: {  	_ =	swait.ge @!p2 [sflag:s8], $0x30E0  }
0x41: {  	[sflag:s8] =	ssyncset.done @!p2 $0x0  }
0x42: {  	s13 =	rddreg [dreg:$0x8];
	[sflag:s8] =	ssyncadd.s32 @!p2 $0xFFFFCF20;
	s8 =	simm.s32 @!p3 $0x1FC5  }
0x43: {  	[spmem:s21], [sflag:s8] =	dma.local @!p3 [hbm:s13], $0x3020  }
0x44: {  	s8 =	simm.s32 @!p3 $0x5  }
0x45: {  	_ =	swait.ge @!p3 [sflag:s8], $0x3020  }
0x46: {  	s13 =	sshll.u32 @!p4 s17, $0x6;
	[sflag:s8] =	ssyncset.done @!p3 $0x0;
	s14 =	rddreg [dreg:$0x7]  }
0x47: {  	[sflag:s8] =	ssyncadd.s32 @!p3 $0xFFFFCFE0;
	s8 =	sor.u32 @!p4 $0x1C05, s13;
	s13 =	sshrl.u32 @!p4 s12, $0x3  }
0x48: {  	[spmem:s13], [sflag:s8] =	dma.local @!p4 [hbm:s14], $0x30E0  }
0x49: {  	s8 =	simm.s32 @!p4 $0x5  }
0x4a: {  	_ =	swait.ge @!p4 [sflag:s8], $0x30E0  }
0x4b: {  	[sflag:s8] =	ssyncset.done @!p4 $0x0  }
0x4c: {  	[sflag:s8] =	ssyncadd.s32 @!p4 $0xFFFFCF20  }
0x4d: {  	[bflag:$0x0] =	sbarrier.arrive $0xFFFF  }
0x4e: {  	s19 =	rddreg [dreg:$0x9]  }
0x4f: {  	[tilespmem:s22], [sflag:$0x5] =	stream.linear.gather [hbm4b:s19+s3], $0x640, $0x38;
	[tilespmem:$0x1F720] =	vst v63  }
0x50: {  	_ =	swait.ge [sflag:s23], $0x640  }
0x51: {  	s8 =	rddreg [dreg:$0x0]  }
.Ltmp2:
0x52: {  	[sflag:s23] =	ssyncset.done $0x0;
	s13 =	rddreg [dreg:$0x4];
	(pc) =	sbr.rel .LBB2_2-.Ltmp2, $4  }
0x53: {  	s8 =	smov.u32 @p0 s13;
	[sflag:s23] =	ssyncadd.s32 $0xFFFFF9C0  }
0x54: {  	[tilespmem:s26], [sflag:$0x1] =	stream.indirect.gather [hbm4b:s8+s24], $0x20, s22, s24, $0xb8;
	[tilespmem:$0x1F720] =	vst v63  }
0x55: {  	s17 =	rddreg [dreg:$0xd];
	s13 =	simm.s32 $0x0  }
0x56: {  	[tilespmem:s29], [sflag:$0x2] =	stream.indirect.gather [hbm4b:s8+s24], $0x20, s28, s24, $0xb8;
	[tilespmem:$0x1F720] =	vst v63  }
.LBB2_7:
0x57: {  	s13 =	sadd.s32 $0x1, s13  }
0x58: {  	p6 =	seq.s32 s13, $0x7D  }
.Ltmp3:
0x59: {  	_ = 	snop;
	(pc) =	sbr.rel @p6 .LBB2_9-.Ltmp3, $2  }
0x5a: {  	_ =	sdelay $0x2  }
0x5b: {  	s17 =	sadd.s32 $0xC8, s17  }
.LBB2_2:
0x5c: {  	s8 =	sand.u32 $0x1, s13  }
0x5d: {  	p6 =	seq.s32 s8, $0x1  }
.Ltmp4:
0x5e: {  	_ = 	snop;
	(pc) =	sbr.rel @p6 .LBB2_5-.Ltmp4, $1  }
0x5f: {  	_ =	sdelay $0x3  }
0x60: {  	_ =	swait.ge [sflag:s30], $0x3200  }
0x61: {  	[sflag:s30] =	ssyncset.done $0x0  }
0x62: {  	p6 =	seq.s32 s13, $0x7C;
	[sflag:s30] =	ssyncadd.s32 $0xFFFFCE00  }
0x63: {  	[spmem:s2] =	stream.indirect.scatter.add.f32 [tilespmem:s26], [sflag:$0x3], $0x20, s5, s24, $0xb8;
	[tilespmem:$0x1F720] =	vst v63  }
.Ltmp5:
0x64: {  	_ = 	snop;
	(pc) =	sbr.rel @p6 .LBB2_8-.Ltmp5, $4  }
0x65: {  	_ =	swait.ge [sflag:s0], $0x3200  }
0x66: {  	[sflag:s0] =	ssyncset.done $0x0  }
0x67: {  	[sflag:s0] =	ssyncadd.s32 $0xFFFFCE00  }
0x68: {  	[spmem:s2] =	stream.indirect.scatter.add.f32 [tilespmem:s29], [sflag:$0x4], $0x20, s10, s24, $0xb8;
	[tilespmem:$0x1F720] =	vst v63  }
0x69: {  	[tilespmem:s6], [sflag:$0x5] =	stream.linear.gather [hbm4b:s17+s3], $0x640, $0x38;
	[tilespmem:$0x1F720] =	vst v63  }
0x6a: {  	_ =	swait.ge [sflag:s23], $0x640  }
0x6b: {  	[sflag:s23] =	ssyncset.done $0x0  }
0x6c: {  	[sflag:s23] =	ssyncadd.s32 $0xFFFFF9C0  }
0x6d: {  	_ =	swait.ge [sflag:s7], $0x3200  }
0x6e: {  	[sflag:s7] =	ssyncset.done $0x0  }
0x6f: {  	p6 =	seq.s32 s8, $0x0;
	[sflag:s7] =	ssyncadd.s32 $0xFFFFCE00  }
0x70: {  	[tilespmem:s26], [sflag:$0x1] =	stream.indirect.gather [hbm4b:s16+s24], $0x20, s6, s24, $0xb8;
	[tilespmem:$0x1F720] =	vst v63  }
.Ltmp6:
0x71: {  	_ = 	snop;
	(pc) =	sbr.rel @p6 .LBB2_7-.Ltmp6, $4  }
0x72: {  	_ =	swait.ge [sflag:s9], $0x3200  }
0x73: {  	[sflag:s9] =	ssyncset.done $0x0  }
0x74: {  	[sflag:s9] =	ssyncadd.s32 $0xFFFFCE00  }
0x75: {  	[tilespmem:s29], [sflag:$0x2] =	stream.indirect.gather [hbm4b:s16+s24], $0x20, s11, s24, $0xb8;
	[tilespmem:$0x1F720] =	vst v63  }
.LBB2_5:
0x76: {  	_ =	swait.ge [sflag:s30], $0x3200  }
0x77: {  	[sflag:s30] =	ssyncset.done $0x0  }
0x78: {  	p6 =	seq.s32 s13, $0x7C;
	[sflag:s30] =	ssyncadd.s32 $0xFFFFCE00  }
0x79: {  	[spmem:s2] =	stream.indirect.scatter.add.f32 [tilespmem:s26], [sflag:$0x3], $0x20, s31, s24, $0xb8;
	[tilespmem:$0x1F720] =	vst v63  }
.Ltmp7:
0x7a: {  	_ = 	snop;
	(pc) =	sbr.rel @p6 .LBB2_8-.Ltmp7, $4  }
0x7b: {  	_ =	swait.ge [sflag:s0], $0x3200  }
0x7c: {  	[sflag:s0] =	ssyncset.done $0x0  }
0x7d: {  	[sflag:s0] =	ssyncadd.s32 $0xFFFFCE00  }
0x7e: {  	[spmem:s2] =	stream.indirect.scatter.add.f32 [tilespmem:s29], [sflag:$0x4], $0x20, s1, s24, $0xb8;
	[tilespmem:$0x1F720] =	vst v63  }
0x7f: {  	[tilespmem:s22], [sflag:$0x5] =	stream.linear.gather [hbm4b:s17+s3], $0x640, $0x38;
	[tilespmem:$0x1F720] =	vst v63  }
0x80: {  	_ =	swait.ge [sflag:s23], $0x640  }
0x81: {  	[sflag:s23] =	ssyncset.done $0x0  }
0x82: {  	[sflag:s23] =	ssyncadd.s32 $0xFFFFF9C0  }
0x83: {  	_ =	swait.ge [sflag:s7], $0x3200  }
0x84: {  	[sflag:s7] =	ssyncset.done $0x0  }
0x85: {  	[sflag:s7] =	ssyncadd.s32 $0xFFFFCE00  }
0x86: {  	[tilespmem:s26], [sflag:$0x1] =	stream.indirect.gather [hbm4b:s16+s24], $0x20, s22, s24, $0xb8;
	[tilespmem:$0x1F720] =	vst v63  }
.Ltmp8:
0x87: {  	_ = 	snop;
	(pc) =	sbr.rel .LBB2_7-.Ltmp8, $4  }
0x88: {  	_ =	swait.ge [sflag:s9], $0x3200  }
0x89: {  	[sflag:s9] =	ssyncset.done $0x0  }
0x8a: {  	[sflag:s9] =	ssyncadd.s32 $0xFFFFCE00  }
0x8b: {  	[tilespmem:s29], [sflag:$0x2] =	stream.indirect.gather [hbm4b:s16+s24], $0x20, s28, s24, $0xb8;
	[tilespmem:$0x1F720] =	vst v63  }
.LBB2_10:
0x8c: {  	_ =	sfence.sel $0x180000  }
0x8d: {  	[bflag:$0x0] =	sbarrier.arrive $0xFFFF  }
0x8e: {  	_ =	strace $0x9000004A  }
0x8f: {  	[bflag:$0x2] =	sbarrier.arrive $0xFFFF  }
0x90: {  	p0 =	sne.s32 s17, $0x0;
	s0 =	rddreg [dreg:$0x3]  }
0x91: {  	s0 =	sadd.s32 @!p0 $0x100000, s0  }
0x92: {  	[sflag:s0] =	ssyncadd.tile.s32 @!p0 $0x1;
	_ =	shalt  }
.Lfunc_end2:
_tile_overlayer_lowered:
.L_overlay_start_2:
0x93: {  	(tag) =	ssettag $0x2  }
0x94: {  	s0 =	rddreg [dreg:$0x0];
	s2 =	stileid.u32  }
0x95: {  	s1 =	rddreg [dreg:$0x1];
	p0 =	sne.s32 s2, $0x0  }
0x96: {  	s3 =	rddreg [dreg:$0x2];
	[bflag:$0x3] =	sbarrier.arrive $0xFFFF;
	s2 =	simm.s32 @!p0 $0x1C05  }
0x97: {  	[timem:s3], [sflag:s2] =	dma.local @!p0 [hbm:s0], s1  }
0x98: {  	s0 =	simm.s32 @!p0 $0x5  }
0x99: {  	_ =	swait.ge @!p0 [sflag:s0], s1  }
0x9a: {  	s1 =	ssub.s32 @!p0 $0x0, s1;
	[sflag:s0] =	ssyncset.done @!p0 $0x0  }
0x9b: {  	[sflag:s0] =	ssyncadd.s32 @!p0 s1  }
0x9c: {  	[bflag:$0x3] =	sbarrier.arrive $0xFFFF  }
0x9d: {  	_ =	shalt  }

</sc_bundles>
